<compile_context>
chip_gen: v7x
topology: tpu7x:2x2x1
jax: 0.10.2.dev20260603
libtpu: 0.0.44.dev20260713+nightly
codegen_flags: <defaults>
</compile_context>

<pallas_src>
import functools

import jax
import jax.numpy as jnp
from jax import lax
from jax.experimental import pallas as pl
from jax.experimental.pallas import tpu as pltpu
from jax.experimental.pallas import tpu_sc as plsc

B = 16384
K = 512
D = 32

NSPLIT = 4
BH = B // NSPLIT

BLK = 4096
NBH = BH // BLK

DPAD = 128
NC = 2
NS = 16
NW = NC * NS
BPW = BH // NW
IDXC = 128
NCHUNK = BPW // IDXC


def _argmin_tc(ctxt_ref, anc_ref, idx_ref):
    ctxt = ctxt_ref[...]
    anc = anc_ref[...]
    an2 = jnp.sum(anc * anc, axis=1, keepdims=True)
    dots = lax.dot_general(
        anc, ctxt, (((1,), (0,)), ((), ())),
        preferred_element_type=jnp.float32,
        precision=lax.Precision.HIGHEST)
    scores = an2 - 2.0 * dots
    idx_ref[0, 0, :] = jnp.argmin(scores, axis=0).astype(jnp.int32)


def _add_tc(ctxt_ref, *refs):
    g_refs, outt_ref = refs[:-1], refs[-1]
    i = pl.program_id(0)
    g = g_refs[-1][:, :D]
    for h in range(NSPLIT - 2, -1, -1):
        g = jnp.where(i < (h + 1) * NBH, g_refs[h][:, :D], g)
    outt_ref[...] = ctxt_ref[...] + g.T


@functools.cache
def _build_gather_sc():
    mesh = plsc.VectorSubcoreMesh(core_axis_name="c", subcore_axis_name="s",
                                  num_cores=NC)

    @functools.partial(
        pl.kernel,
        mesh=mesh,
        out_type=jax.ShapeDtypeStruct((BH, DPAD), jnp.float32),
        scratch_types=[
            pltpu.VMEM((NCHUNK, IDXC), jnp.int32),
            pltpu.VMEM((BPW, DPAD), jnp.float32),
            pltpu.SemaphoreType.DMA,
            pltpu.SemaphoreType.DMA,
            pltpu.SemaphoreType.DMA,
        ],
    )
    def _gather_sc(anc_hbm, idx_hbm, g_hbm,
                   idx_v, rows_v, gsem0, gsem1, osem):
        wid = lax.axis_index("s") * NC + lax.axis_index("c")
        base = wid * BPW
        gsems = (gsem0, gsem1)
        pltpu.sync_copy(idx_hbm.at[wid], idx_v)
        gather_cp = [pltpu.async_copy(anc_hbm.at[idx_v.at[c]],
                                      rows_v.at[pl.ds(c * IDXC, IDXC)],
                                      gsems[c])
                     for c in range(NCHUNK)]
        for cp in gather_cp:
            cp.wait()
        pltpu.sync_copy(rows_v, g_hbm.at[pl.ds(base, BPW)])

    return _gather_sc


def _argmin_half(ctxt, anchors, h):
    return pl.pallas_call(
        _argmin_tc,
        grid=(NBH,),
        in_specs=[
            pl.BlockSpec((D, BLK), lambda i, _h=h: (0, i + _h * NBH)),
            pl.BlockSpec((K, D), lambda i: (0, 0)),
        ],
        out_specs=pl.BlockSpec((1, 1, BLK), lambda i: (i, 0, 0)),
        out_shape=jax.ShapeDtypeStruct((NBH, 1, BLK), jnp.int32),
        name=f"argmin_h{h}",
    )(ctxt, anchors)


def kernel(context_vector, anchors):
    ctxt = context_vector.T
    anc_pad = jnp.pad(anchors, ((0, 0), (0, DPAD - D)))
    sc = _build_gather_sc()
    gs = []
    for h in range(NSPLIT):
        idx3 = _argmin_half(ctxt, anchors, h)
        gs.append(sc(anc_pad, idx3.reshape(NW, NCHUNK, IDXC)))
    outt = pl.pallas_call(
        _add_tc,
        grid=(B // BLK,),
        in_specs=[pl.BlockSpec((D, BLK), lambda i: (0, i))] + [
            pl.BlockSpec(
                (BLK, DPAD),
                functools.partial(
                    lambda i, _h: (jnp.clip(i - _h * NBH, 0, NBH - 1), 0),
                    _h=h))
            for h in range(NSPLIT)
        ],
        out_specs=pl.BlockSpec((D, BLK), lambda i: (0, i)),
        out_shape=jax.ShapeDtypeStruct((D, B), jnp.float32),
    )(ctxt, *gs)
    return outt.T

# --- scband reference (transcript-rebuilt; emitter-appended) ---
"""Pipeline reference for scband-latent-anchor-tuning-40484361732482 (READ-ONLY COPY).

The authoritative reference and input builder live on the scoring server;
editing this copy changes nothing except your own understanding.
"""

import jax, jax.numpy as jnp
import numpy as np

LATENT_DIM = 32
NUM_ANCHORS = 512
BATCH = 16384


def setup_inputs(seed: int = 0) -> dict:
    key = jax.random.key(seed)
    k1, k2 = jax.random.split(key)
    context_vector = jax.random.normal(k1, (BATCH, LATENT_DIM), dtype=jnp.float32)
    anchors = jax.random.normal(k2, (NUM_ANCHORS, LATENT_DIM), dtype=jnp.float32)
    return {"context_vector": context_vector, "anchors": anchors}


def reference(context_vector, anchors):
    # distances[b, k] = || anchors[k] - context_vector[b] ||_2
    diff = anchors[None, :, :] - context_vector[:, None, :]  # [B, K, D]
    distances = jnp.linalg.norm(diff, axis=-1)                # [B, K]
    idx = jnp.argmin(distances, axis=1)                       # [B]
    nearest_anchor = jnp.take(anchors, idx, axis=0)           # [B, D]
    return context_vector + nearest_anchor

if __name__ == "__main__":
    import jax
    _d = setup_inputs()
    print(jax.jit(kernel)(*tuple(_d.values())))

</pallas_src>

<mosaic_0001>
#map = affine_map<(d0, d1) -> (0, 0)>
#map1 = affine_map<(d0, d1) -> (0, 0, 0)>
module attributes {stable_mosaic.version = 14 : i64} {
  func.func @_gather_sc(%arg0: i32, %arg1: i32, %arg2: memref<512x128xf32, #tpu.memory_space<hbm>>, %arg3: memref<32x1x128xi32, #tpu.memory_space<hbm>>, %arg4: memref<4096x128xf32, #tpu.memory_space<hbm>>, %arg5: memref<1x128xi32, #tpu.memory_space<vmem>>, %arg6: memref<128x128xf32, #tpu.memory_space<vmem>>, %arg7: memref<!tpu.dma_semaphore, #tpu.memory_space<semaphore_mem>>, %arg8: memref<!tpu.dma_semaphore, #tpu.memory_space<semaphore_mem>>, %arg9: memref<!tpu.dma_semaphore, #tpu.memory_space<semaphore_mem>>) attributes {dimension_semantics = [#tpu.dimension_semantics<core_parallel>, #tpu.dimension_semantics<subcore_parallel>], iteration_bounds = array<i64: 2, 16>, scalar_prefetch = 0 : i64, scratch_operands = 5 : i64, tpu.core_type = #tpu.core_type<sc_vector_subcore>, window_params = [{transform_indices = #map}, {transform_indices = #map1}, {transform_indices = #map}]} {
    %mul3A = arith.constant 2 : i32
    %mul3A_0 = arith.muli %arg1, %mul3A : i32
    %add3A = arith.addi %mul3A_0, %arg0 : i32
    %mul3A_1 = arith.constant 128 : i32
    %mul3A_2 = arith.muli %add3A, %mul3A_1 : i32
    "tpu.region"() ({
      %run_scoped3A = tpu.sem_alloc : memref<!tpu.dma_semaphore, #tpu.memory_space<semaphore_mem>>
      %dma_start3A_21 = arith.constant 0 : i32
      %dma_start3A_22 = arith.constant 0 : i32
      %dma_start3A_23 = tpu.memref_slice %arg3[%add3A, %dma_start3A_21, %dma_start3A_22] : memref<32x1x128xi32, #tpu.memory_space<hbm>> -> memref<1x1x128xi32, #tpu.memory_space<hbm>>
      %dma_start3A_24 = tpu.memref_squeeze %dma_start3A_23 : memref<1x1x128xi32, #tpu.memory_space<hbm>> -> memref<1x128xi32, #tpu.memory_space<hbm>>
      %dma_start3A_25 = arith.constant 0 : i32
      %dma_start3A_26 = arith.constant 0 : i32
      %dma_start3A_27 = tpu.memref_slice %arg3[%add3A, %dma_start3A_25, %dma_start3A_26] : memref<32x1x128xi32, #tpu.memory_space<hbm>> -> memref<1x1x128xi32, #tpu.memory_space<hbm>>
      %dma_start3A_28 = tpu.memref_squeeze %dma_start3A_27 : memref<1x1x128xi32, #tpu.memory_space<hbm>> -> memref<1x128xi32, #tpu.memory_space<hbm>>
      tpu.enqueue_dma source(%dma_start3A_28 : memref<1x128xi32, #tpu.memory_space<hbm>>) target(%arg5 : memref<1x128xi32, #tpu.memory_space<vmem>>) target_semaphore(%run_scoped3A : memref<!tpu.dma_semaphore, #tpu.memory_space<semaphore_mem>>)
      %dma_wait3A_29 = arith.constant 0 : i32
      %dma_wait3A_30 = arith.constant 0 : i32
      %dma_wait3A_31 = tpu.memref_slice %arg3[%add3A, %dma_wait3A_29, %dma_wait3A_30] : memref<32x1x128xi32, #tpu.memory_space<hbm>> -> memref<1x1x128xi32, #tpu.memory_space<hbm>>
      %dma_wait3A_32 = tpu.memref_squeeze %dma_wait3A_31 : memref<1x1x128xi32, #tpu.memory_space<hbm>> -> memref<1x128xi32, #tpu.memory_space<hbm>>
      %dma_wait3A_33 = arith.constant 0 : i32
      %dma_wait3A_34 = arith.constant 0 : i32
      %dma_wait3A_35 = tpu.memref_slice %arg3[%add3A, %dma_wait3A_33, %dma_wait3A_34] : memref<32x1x128xi32, #tpu.memory_space<hbm>> -> memref<1x1x128xi32, #tpu.memory_space<hbm>>
      %dma_wait3A_36 = tpu.memref_squeeze %dma_wait3A_35 : memref<1x1x128xi32, #tpu.memory_space<hbm>> -> memref<1x128xi32, #tpu.memory_space<hbm>>
      tpu.wait_dma2 semaphore(%run_scoped3A : memref<!tpu.dma_semaphore, #tpu.memory_space<semaphore_mem>>) src(%dma_wait3A_36 : memref<1x128xi32, #tpu.memory_space<hbm>>) dst(%arg5 : memref<1x128xi32, #tpu.memory_space<vmem>>)
      tpu.yield
    }) : () -> ()
    %dma_start3A = arith.constant 0 : i32
    %dma_start3A_3 = arith.constant 0 : i32
    %dma_start3A_4 = arith.constant 0 : i32
    %dma_start3A_5 = tpu.memref_slice %arg6[%dma_start3A_3, %dma_start3A_4] : memref<128x128xf32, #tpu.memory_space<vmem>> -> memref<128x128xf32, #tpu.memory_space<vmem>>
    %dma_start3A_6 = arith.constant 0 : i32
    %dma_start3A_7 = tpu.memref_slice %arg5[%dma_start3A, %dma_start3A_6] : memref<1x128xi32, #tpu.memory_space<vmem>> -> memref<1x128xi32, #tpu.memory_space<vmem>>
    %dma_start3A_8 = tpu.memref_squeeze %dma_start3A_7 : memref<1x128xi32, #tpu.memory_space<vmem>> -> memref<128xi32, #tpu.memory_space<vmem>>
    %dma_start3A_9 = arith.constant 0 : i32
    %dma_start3A_10 = arith.constant 0 : i32
    %dma_start3A_11 = tpu.memref_slice %arg2[%dma_start3A_9, %dma_start3A_10] : memref<512x128xf32, #tpu.memory_space<hbm>> -> memref<512x128xf32, #tpu.memory_space<hbm>>
    tpu.enqueue_indirect_dma source(%dma_start3A_11 : memref<512x128xf32, #tpu.memory_space<hbm>>) target(%dma_start3A_5 : memref<128x128xf32, #tpu.memory_space<vmem>>) offsets(%dma_start3A_8 : memref<128xi32, #tpu.memory_space<vmem>>) semaphore(%arg7 : memref<!tpu.dma_semaphore, #tpu.memory_space<semaphore_mem>>)
    %dma_wait3A = arith.constant 0 : i32
    %dma_wait3A_12 = arith.constant 0 : i32
    %dma_wait3A_13 = arith.constant 0 : i32
    %dma_wait3A_14 = tpu.memref_slice %arg6[%dma_wait3A_12, %dma_wait3A_13] : memref<128x128xf32, #tpu.memory_space<vmem>> -> memref<128x128xf32, #tpu.memory_space<vmem>>
    %dma_wait3A_15 = arith.constant 0 : i32
    %dma_wait3A_16 = tpu.memref_slice %arg5[%dma_wait3A, %dma_wait3A_15] : memref<1x128xi32, #tpu.memory_space<vmem>> -> memref<1x128xi32, #tpu.memory_space<vmem>>
    %dma_wait3A_17 = tpu.memref_squeeze %dma_wait3A_16 : memref<1x128xi32, #tpu.memory_space<vmem>> -> memref<128xi32, #tpu.memory_space<vmem>>
    %dma_wait3A_18 = arith.constant 0 : i32
    %dma_wait3A_19 = arith.constant 0 : i32
    %dma_wait3A_20 = tpu.memref_slice %arg2[%dma_wait3A_18, %dma_wait3A_19] : memref<512x128xf32, #tpu.memory_space<hbm>> -> memref<512x128xf32, #tpu.memory_space<hbm>>
    tpu.wait_indirect_dma semaphore(%arg7 : memref<!tpu.dma_semaphore, #tpu.memory_space<semaphore_mem>>) src(%dma_wait3A_20 : memref<512x128xf32, #tpu.memory_space<hbm>>) dst(%dma_wait3A_14 : memref<128x128xf32, #tpu.memory_space<vmem>>)
    "tpu.region"() ({
      %run_scoped3A = tpu.sem_alloc : memref<!tpu.dma_semaphore, #tpu.memory_space<semaphore_mem>>
      %dma_start3A_21 = arith.constant 0 : i32
      %dma_start3A_22 = tpu.memref_slice %arg4[%mul3A_2, %dma_start3A_21] : memref<4096x128xf32, #tpu.memory_space<hbm>> -> memref<128x128xf32, #tpu.memory_space<hbm>>
      %dma_start3A_23 = arith.constant 0 : i32
      %dma_start3A_24 = tpu.memref_slice %arg4[%mul3A_2, %dma_start3A_23] : memref<4096x128xf32, #tpu.memory_space<hbm>> -> memref<128x128xf32, #tpu.memory_space<hbm>>
      tpu.enqueue_dma source(%arg6 : memref<128x128xf32, #tpu.memory_space<vmem>>) target(%dma_start3A_24 : memref<128x128xf32, #tpu.memory_space<hbm>>) target_semaphore(%run_scoped3A : memref<!tpu.dma_semaphore, #tpu.memory_space<semaphore_mem>>)
      %dma_wait3A_25 = arith.constant 0 : i32
      %dma_wait3A_26 = tpu.memref_slice %arg4[%mul3A_2, %dma_wait3A_25] : memref<4096x128xf32, #tpu.memory_space<hbm>> -> memref<128x128xf32, #tpu.memory_space<hbm>>
      %dma_wait3A_27 = arith.constant 0 : i32
      %dma_wait3A_28 = tpu.memref_slice %arg4[%mul3A_2, %dma_wait3A_27] : memref<4096x128xf32, #tpu.memory_space<hbm>> -> memref<128x128xf32, #tpu.memory_space<hbm>>
      tpu.wait_dma2 semaphore(%run_scoped3A : memref<!tpu.dma_semaphore, #tpu.memory_space<semaphore_mem>>) src(%arg6 : memref<128x128xf32, #tpu.memory_space<vmem>>) dst(%dma_wait3A_28 : memref<128x128xf32, #tpu.memory_space<hbm>>)
      tpu.yield
    }) : () -> ()
    return
  }
}

#map = affine_map<(d0, d1) -> (0, 0)>
#map1 = affine_map<(d0, d1) -> (0, 0, 0)>
module attributes {stable_mosaic.version = 14 : i64} {
  func.func @_gather_sc(%arg0: i32, %arg1: i32, %arg2: memref<512x128xf32, #tpu.memory_space<hbm>>, %arg3: memref<32x1x128xi32, #tpu.memory_space<hbm>>, %arg4: memref<4096x128xf32, #tpu.memory_space<hbm>>, %arg5: memref<1x128xi32, #tpu.memory_space<vmem>>, %arg6: memref<128x128xf32, #tpu.memory_space<vmem>>, %arg7: memref<!tpu.dma_semaphore, #tpu.memory_space<semaphore_mem>>, %arg8: memref<!tpu.dma_semaphore, #tpu.memory_space<semaphore_mem>>, %arg9: memref<!tpu.dma_semaphore, #tpu.memory_space<semaphore_mem>>) attributes {dimension_semantics = [#tpu.dimension_semantics<core_parallel>, #tpu.dimension_semantics<subcore_parallel>], iteration_bounds = array<i64: 2, 16>, scalar_prefetch = 0 : i64, scratch_operands = 5 : i64, tpu.core_type = #tpu.core_type<sc_vector_subcore>, window_params = [{transform_indices = #map}, {transform_indices = #map1}, {transform_indices = #map}]} {
    %mul3A = arith.constant 2 : i32
    %mul3A_0 = arith.muli %arg1, %mul3A : i32
    %add3A = arith.addi %mul3A_0, %arg0 : i32
    %mul3A_1 = arith.constant 128 : i32
    %mul3A_2 = arith.muli %add3A, %mul3A_1 : i32
    "tpu.region"() ({
      %run_scoped3A = tpu.sem_alloc : memref<!tpu.dma_semaphore, #tpu.memory_space<semaphore_mem>>
      %dma_start3A_21 = arith.constant 0 : i32
      %dma_start3A_22 = arith.constant 0 : i32
      %dma_start3A_23 = tpu.memref_slice %arg3[%add3A, %dma_start3A_21, %dma_start3A_22] : memref<32x1x128xi32, #tpu.memory_space<hbm>> -> memref<1x1x128xi32, #tpu.memory_space<hbm>>
      %dma_start3A_24 = tpu.memref_squeeze %dma_start3A_23 : memref<1x1x128xi32, #tpu.memory_space<hbm>> -> memref<1x128xi32, #tpu.memory_space<hbm>>
      %dma_start3A_25 = arith.constant 0 : i32
      %dma_start3A_26 = arith.constant 0 : i32
      %dma_start3A_27 = tpu.memref_slice %arg3[%add3A, %dma_start3A_25, %dma_start3A_26] : memref<32x1x128xi32, #tpu.memory_space<hbm>> -> memref<1x1x128xi32, #tpu.memory_space<hbm>>
      %dma_start3A_28 = tpu.memref_squeeze %dma_start3A_27 : memref<1x1x128xi32, #tpu.memory_space<hbm>> -> memref<1x128xi32, #tpu.memory_space<hbm>>
      tpu.enqueue_dma source(%dma_start3A_28 : memref<1x128xi32, #tpu.memory_space<hbm>>) target(%arg5 : memref<1x128xi32, #tpu.memory_space<vmem>>) target_semaphore(%run_scoped3A : memref<!tpu.dma_semaphore, #tpu.memory_space<semaphore_mem>>)
      %dma_wait3A_29 = arith.constant 0 : i32
      %dma_wait3A_30 = arith.constant 0 : i32
      %dma_wait3A_31 = tpu.memref_slice %arg3[%add3A, %dma_wait3A_29, %dma_wait3A_30] : memref<32x1x128xi32, #tpu.memory_space<hbm>> -> memref<1x1x128xi32, #tpu.memory_space<hbm>>
      %dma_wait3A_32 = tpu.memref_squeeze %dma_wait3A_31 : memref<1x1x128xi32, #tpu.memory_space<hbm>> -> memref<1x128xi32, #tpu.memory_space<hbm>>
      %dma_wait3A_33 = arith.constant 0 : i32
      %dma_wait3A_34 = arith.constant 0 : i32
      %dma_wait3A_35 = tpu.memref_slice %arg3[%add3A, %dma_wait3A_33, %dma_wait3A_34] : memref<32x1x128xi32, #tpu.memory_space<hbm>> -> memref<1x1x128xi32, #tpu.memory_space<hbm>>
      %dma_wait3A_36 = tpu.memref_squeeze %dma_wait3A_35 : memref<1x1x128xi32, #tpu.memory_space<hbm>> -> memref<1x128xi32, #tpu.memory_space<hbm>>
      tpu.wait_dma2 semaphore(%run_scoped3A : memref<!tpu.dma_semaphore, #tpu.memory_space<semaphore_mem>>) src(%dma_wait3A_36 : memref<1x128xi32, #tpu.memory_space<hbm>>) dst(%arg5 : memref<1x128xi32, #tpu.memory_space<vmem>>)
      tpu.yield
    }) : () -> ()
    %dma_start3A = arith.constant 0 : i32
    %dma_start3A_3 = arith.constant 0 : i32
    %dma_start3A_4 = arith.constant 0 : i32
    %dma_start3A_5 = tpu.memref_slice %arg6[%dma_start3A_3, %dma_start3A_4] : memref<128x128xf32, #tpu.memory_space<vmem>> -> memref<128x128xf32, #tpu.memory_space<vmem>>
    %dma_start3A_6 = arith.constant 0 : i32
    %dma_start3A_7 = tpu.memref_slice %arg5[%dma_start3A, %dma_start3A_6] : memref<1x128xi32, #tpu.memory_space<vmem>> -> memref<1x128xi32, #tpu.memory_space<vmem>>
    %dma_start3A_8 = tpu.memref_squeeze %dma_start3A_7 : memref<1x128xi32, #tpu.memory_space<vmem>> -> memref<128xi32, #tpu.memory_space<vmem>>
    %dma_start3A_9 = arith.constant 0 : i32
    %dma_start3A_10 = arith.constant 0 : i32
    %dma_start3A_11 = tpu.memref_slice %arg2[%dma_start3A_9, %dma_start3A_10] : memref<512x128xf32, #tpu.memory_space<hbm>> -> memref<512x128xf32, #tpu.memory_space<hbm>>
    tpu.enqueue_indirect_dma source(%dma_start3A_11 : memref<512x128xf32, #tpu.memory_space<hbm>>) target(%dma_start3A_5 : memref<128x128xf32, #tpu.memory_space<vmem>>) offsets(%dma_start3A_8 : memref<128xi32, #tpu.memory_space<vmem>>) semaphore(%arg7 : memref<!tpu.dma_semaphore, #tpu.memory_space<semaphore_mem>>)
    %dma_wait3A = arith.constant 0 : i32
    %dma_wait3A_12 = arith.constant 0 : i32
    %dma_wait3A_13 = arith.constant 0 : i32
    %dma_wait3A_14 = tpu.memref_slice %arg6[%dma_wait3A_12, %dma_wait3A_13] : memref<128x128xf32, #tpu.memory_space<vmem>> -> memref<128x128xf32, #tpu.memory_space<vmem>>
    %dma_wait3A_15 = arith.constant 0 : i32
    %dma_wait3A_16 = tpu.memref_slice %arg5[%dma_wait3A, %dma_wait3A_15] : memref<1x128xi32, #tpu.memory_space<vmem>> -> memref<1x128xi32, #tpu.memory_space<vmem>>
    %dma_wait3A_17 = tpu.memref_squeeze %dma_wait3A_16 : memref<1x128xi32, #tpu.memory_space<vmem>> -> memref<128xi32, #tpu.memory_space<vmem>>
    %dma_wait3A_18 = arith.constant 0 : i32
    %dma_wait3A_19 = arith.constant 0 : i32
    %dma_wait3A_20 = tpu.memref_slice %arg2[%dma_wait3A_18, %dma_wait3A_19] : memref<512x128xf32, #tpu.memory_space<hbm>> -> memref<512x128xf32, #tpu.memory_space<hbm>>
    tpu.wait_indirect_dma semaphore(%arg7 : memref<!tpu.dma_semaphore, #tpu.memory_space<semaphore_mem>>) src(%dma_wait3A_20 : memref<512x128xf32, #tpu.memory_space<hbm>>) dst(%dma_wait3A_14 : memref<128x128xf32, #tpu.memory_space<vmem>>)
    "tpu.region"() ({
      %run_scoped3A = tpu.sem_alloc : memref<!tpu.dma_semaphore, #tpu.memory_space<semaphore_mem>>
      %dma_start3A_21 = arith.constant 0 : i32
      %dma_start3A_22 = tpu.memref_slice %arg4[%mul3A_2, %dma_start3A_21] : memref<4096x128xf32, #tpu.memory_space<hbm>> -> memref<128x128xf32, #tpu.memory_space<hbm>>
      %dma_start3A_23 = arith.constant 0 : i32
      %dma_start3A_24 = tpu.memref_slice %arg4[%mul3A_2, %dma_start3A_23] : memref<4096x128xf32, #tpu.memory_space<hbm>> -> memref<128x128xf32, #tpu.memory_space<hbm>>
      tpu.enqueue_dma source(%arg6 : memref<128x128xf32, #tpu.memory_space<vmem>>) target(%dma_start3A_24 : memref<128x128xf32, #tpu.memory_space<hbm>>) target_semaphore(%run_scoped3A : memref<!tpu.dma_semaphore, #tpu.memory_space<semaphore_mem>>)
      %dma_wait3A_25 = arith.constant 0 : i32
      %dma_wait3A_26 = tpu.memref_slice %arg4[%mul3A_2, %dma_wait3A_25] : memref<4096x128xf32, #tpu.memory_space<hbm>> -> memref<128x128xf32, #tpu.memory_space<hbm>>
      %dma_wait3A_27 = arith.constant 0 : i32
      %dma_wait3A_28 = tpu.memref_slice %arg4[%mul3A_2, %dma_wait3A_27] : memref<4096x128xf32, #tpu.memory_space<hbm>> -> memref<128x128xf32, #tpu.memory_space<hbm>>
      tpu.wait_dma2 semaphore(%run_scoped3A : memref<!tpu.dma_semaphore, #tpu.memory_space<semaphore_mem>>) src(%arg6 : memref<128x128xf32, #tpu.memory_space<vmem>>) dst(%dma_wait3A_28 : memref<128x128xf32, #tpu.memory_space<hbm>>)
      tpu.yield
    }) : () -> ()
    return
  }
}

#map = affine_map<(d0, d1) -> (0, 0)>
#map1 = affine_map<(d0, d1) -> (0, 0, 0)>
module attributes {stable_mosaic.version = 14 : i64} {
  func.func @_gather_sc(%arg0: i32, %arg1: i32, %arg2: memref<512x128xf32, #tpu.memory_space<hbm>>, %arg3: memref<32x1x128xi32, #tpu.memory_space<hbm>>, %arg4: memref<4096x128xf32, #tpu.memory_space<hbm>>, %arg5: memref<1x128xi32, #tpu.memory_space<vmem>>, %arg6: memref<128x128xf32, #tpu.memory_space<vmem>>, %arg7: memref<!tpu.dma_semaphore, #tpu.memory_space<semaphore_mem>>, %arg8: memref<!tpu.dma_semaphore, #tpu.memory_space<semaphore_mem>>, %arg9: memref<!tpu.dma_semaphore, #tpu.memory_space<semaphore_mem>>) attributes {dimension_semantics = [#tpu.dimension_semantics<core_parallel>, #tpu.dimension_semantics<subcore_parallel>], iteration_bounds = array<i64: 2, 16>, scalar_prefetch = 0 : i64, scratch_operands = 5 : i64, tpu.core_type = #tpu.core_type<sc_vector_subcore>, window_params = [{transform_indices = #map}, {transform_indices = #map1}, {transform_indices = #map}]} {
    %mul3A = arith.constant 2 : i32
    %mul3A_0 = arith.muli %arg1, %mul3A : i32
    %add3A = arith.addi %mul3A_0, %arg0 : i32
    %mul3A_1 = arith.constant 128 : i32
    %mul3A_2 = arith.muli %add3A, %mul3A_1 : i32
    "tpu.region"() ({
      %run_scoped3A = tpu.sem_alloc : memref<!tpu.dma_semaphore, #tpu.memory_space<semaphore_mem>>
      %dma_start3A_21 = arith.constant 0 : i32
      %dma_start3A_22 = arith.constant 0 : i32
      %dma_start3A_23 = tpu.memref_slice %arg3[%add3A, %dma_start3A_21, %dma_start3A_22] : memref<32x1x128xi32, #tpu.memory_space<hbm>> -> memref<1x1x128xi32, #tpu.memory_space<hbm>>
      %dma_start3A_24 = tpu.memref_squeeze %dma_start3A_23 : memref<1x1x128xi32, #tpu.memory_space<hbm>> -> memref<1x128xi32, #tpu.memory_space<hbm>>
      %dma_start3A_25 = arith.constant 0 : i32
      %dma_start3A_26 = arith.constant 0 : i32
      %dma_start3A_27 = tpu.memref_slice %arg3[%add3A, %dma_start3A_25, %dma_start3A_26] : memref<32x1x128xi32, #tpu.memory_space<hbm>> -> memref<1x1x128xi32, #tpu.memory_space<hbm>>
      %dma_start3A_28 = tpu.memref_squeeze %dma_start3A_27 : memref<1x1x128xi32, #tpu.memory_space<hbm>> -> memref<1x128xi32, #tpu.memory_space<hbm>>
      tpu.enqueue_dma source(%dma_start3A_28 : memref<1x128xi32, #tpu.memory_space<hbm>>) target(%arg5 : memref<1x128xi32, #tpu.memory_space<vmem>>) target_semaphore(%run_scoped3A : memref<!tpu.dma_semaphore, #tpu.memory_space<semaphore_mem>>)
      %dma_wait3A_29 = arith.constant 0 : i32
      %dma_wait3A_30 = arith.constant 0 : i32
      %dma_wait3A_31 = tpu.memref_slice %arg3[%add3A, %dma_wait3A_29, %dma_wait3A_30] : memref<32x1x128xi32, #tpu.memory_space<hbm>> -> memref<1x1x128xi32, #tpu.memory_space<hbm>>
      %dma_wait3A_32 = tpu.memref_squeeze %dma_wait3A_31 : memref<1x1x128xi32, #tpu.memory_space<hbm>> -> memref<1x128xi32, #tpu.memory_space<hbm>>
      %dma_wait3A_33 = arith.constant 0 : i32
      %dma_wait3A_34 = arith.constant 0 : i32
      %dma_wait3A_35 = tpu.memref_slice %arg3[%add3A, %dma_wait3A_33, %dma_wait3A_34] : memref<32x1x128xi32, #tpu.memory_space<hbm>> -> memref<1x1x128xi32, #tpu.memory_space<hbm>>
      %dma_wait3A_36 = tpu.memref_squeeze %dma_wait3A_35 : memref<1x1x128xi32, #tpu.memory_space<hbm>> -> memref<1x128xi32, #tpu.memory_space<hbm>>
      tpu.wait_dma2 semaphore(%run_scoped3A : memref<!tpu.dma_semaphore, #tpu.memory_space<semaphore_mem>>) src(%dma_wait3A_36 : memref<1x128xi32, #tpu.memory_space<hbm>>) dst(%arg5 : memref<1x128xi32, #tpu.memory_space<vmem>>)
      tpu.yield
    }) : () -> ()
    %dma_start3A = arith.constant 0 : i32
    %dma_start3A_3 = arith.constant 0 : i32
    %dma_start3A_4 = arith.constant 0 : i32
    %dma_start3A_5 = tpu.memref_slice %arg6[%dma_start3A_3, %dma_start3A_4] : memref<128x128xf32, #tpu.memory_space<vmem>> -> memref<128x128xf32, #tpu.memory_space<vmem>>
    %dma_start3A_6 = arith.constant 0 : i32
    %dma_start3A_7 = tpu.memref_slice %arg5[%dma_start3A, %dma_start3A_6] : memref<1x128xi32, #tpu.memory_space<vmem>> -> memref<1x128xi32, #tpu.memory_space<vmem>>
    %dma_start3A_8 = tpu.memref_squeeze %dma_start3A_7 : memref<1x128xi32, #tpu.memory_space<vmem>> -> memref<128xi32, #tpu.memory_space<vmem>>
    %dma_start3A_9 = arith.constant 0 : i32
    %dma_start3A_10 = arith.constant 0 : i32
    %dma_start3A_11 = tpu.memref_slice %arg2[%dma_start3A_9, %dma_start3A_10] : memref<512x128xf32, #tpu.memory_space<hbm>> -> memref<512x128xf32, #tpu.memory_space<hbm>>
    tpu.enqueue_indirect_dma source(%dma_start3A_11 : memref<512x128xf32, #tpu.memory_space<hbm>>) target(%dma_start3A_5 : memref<128x128xf32, #tpu.memory_space<vmem>>) offsets(%dma_start3A_8 : memref<128xi32, #tpu.memory_space<vmem>>) semaphore(%arg7 : memref<!tpu.dma_semaphore, #tpu.memory_space<semaphore_mem>>)
    %dma_wait3A = arith.constant 0 : i32
    %dma_wait3A_12 = arith.constant 0 : i32
    %dma_wait3A_13 = arith.constant 0 : i32
    %dma_wait3A_14 = tpu.memref_slice %arg6[%dma_wait3A_12, %dma_wait3A_13] : memref<128x128xf32, #tpu.memory_space<vmem>> -> memref<128x128xf32, #tpu.memory_space<vmem>>
    %dma_wait3A_15 = arith.constant 0 : i32
    %dma_wait3A_16 = tpu.memref_slice %arg5[%dma_wait3A, %dma_wait3A_15] : memref<1x128xi32, #tpu.memory_space<vmem>> -> memref<1x128xi32, #tpu.memory_space<vmem>>
    %dma_wait3A_17 = tpu.memref_squeeze %dma_wait3A_16 : memref<1x128xi32, #tpu.memory_space<vmem>> -> memref<128xi32, #tpu.memory_space<vmem>>
    %dma_wait3A_18 = arith.constant 0 : i32
    %dma_wait3A_19 = arith.constant 0 : i32
    %dma_wait3A_20 = tpu.memref_slice %arg2[%dma_wait3A_18, %dma_wait3A_19] : memref<512x128xf32, #tpu.memory_space<hbm>> -> memref<512x128xf32, #tpu.memory_space<hbm>>
    tpu.wait_indirect_dma semaphore(%arg7 : memref<!tpu.dma_semaphore, #tpu.memory_space<semaphore_mem>>) src(%dma_wait3A_20 : memref<512x128xf32, #tpu.memory_space<hbm>>) dst(%dma_wait3A_14 : memref<128x128xf32, #tpu.memory_space<vmem>>)
    "tpu.region"() ({
      %run_scoped3A = tpu.sem_alloc : memref<!tpu.dma_semaphore, #tpu.memory_space<semaphore_mem>>
      %dma_start3A_21 = arith.constant 0 : i32
      %dma_start3A_22 = tpu.memref_slice %arg4[%mul3A_2, %dma_start3A_21] : memref<4096x128xf32, #tpu.memory_space<hbm>> -> memref<128x128xf32, #tpu.memory_space<hbm>>
      %dma_start3A_23 = arith.constant 0 : i32
      %dma_start3A_24 = tpu.memref_slice %arg4[%mul3A_2, %dma_start3A_23] : memref<4096x128xf32, #tpu.memory_space<hbm>> -> memref<128x128xf32, #tpu.memory_space<hbm>>
      tpu.enqueue_dma source(%arg6 : memref<128x128xf32, #tpu.memory_space<vmem>>) target(%dma_start3A_24 : memref<128x128xf32, #tpu.memory_space<hbm>>) target_semaphore(%run_scoped3A : memref<!tpu.dma_semaphore, #tpu.memory_space<semaphore_mem>>)
      %dma_wait3A_25 = arith.constant 0 : i32
      %dma_wait3A_26 = tpu.memref_slice %arg4[%mul3A_2, %dma_wait3A_25] : memref<4096x128xf32, #tpu.memory_space<hbm>> -> memref<128x128xf32, #tpu.memory_space<hbm>>
      %dma_wait3A_27 = arith.constant 0 : i32
      %dma_wait3A_28 = tpu.memref_slice %arg4[%mul3A_2, %dma_wait3A_27] : memref<4096x128xf32, #tpu.memory_space<hbm>> -> memref<128x128xf32, #tpu.memory_space<hbm>>
      tpu.wait_dma2 semaphore(%run_scoped3A : memref<!tpu.dma_semaphore, #tpu.memory_space<semaphore_mem>>) src(%arg6 : memref<128x128xf32, #tpu.memory_space<vmem>>) dst(%dma_wait3A_28 : memref<128x128xf32, #tpu.memory_space<hbm>>)
      tpu.yield
    }) : () -> ()
    return
  }
}

#map = affine_map<(d0, d1) -> (0, 0)>
#map1 = affine_map<(d0, d1) -> (0, 0, 0)>
module attributes {stable_mosaic.version = 14 : i64} {
  func.func @_gather_sc(%arg0: i32, %arg1: i32, %arg2: memref<512x128xf32, #tpu.memory_space<hbm>>, %arg3: memref<32x1x128xi32, #tpu.memory_space<hbm>>, %arg4: memref<4096x128xf32, #tpu.memory_space<hbm>>, %arg5: memref<1x128xi32, #tpu.memory_space<vmem>>, %arg6: memref<128x128xf32, #tpu.memory_space<vmem>>, %arg7: memref<!tpu.dma_semaphore, #tpu.memory_space<semaphore_mem>>, %arg8: memref<!tpu.dma_semaphore, #tpu.memory_space<semaphore_mem>>, %arg9: memref<!tpu.dma_semaphore, #tpu.memory_space<semaphore_mem>>) attributes {dimension_semantics = [#tpu.dimension_semantics<core_parallel>, #tpu.dimension_semantics<subcore_parallel>], iteration_bounds = array<i64: 2, 16>, scalar_prefetch = 0 : i64, scratch_operands = 5 : i64, tpu.core_type = #tpu.core_type<sc_vector_subcore>, window_params = [{transform_indices = #map}, {transform_indices = #map1}, {transform_indices = #map}]} {
    %mul3A = arith.constant 2 : i32
    %mul3A_0 = arith.muli %arg1, %mul3A : i32
    %add3A = arith.addi %mul3A_0, %arg0 : i32
    %mul3A_1 = arith.constant 128 : i32
    %mul3A_2 = arith.muli %add3A, %mul3A_1 : i32
    "tpu.region"() ({
      %run_scoped3A = tpu.sem_alloc : memref<!tpu.dma_semaphore, #tpu.memory_space<semaphore_mem>>
      %dma_start3A_21 = arith.constant 0 : i32
      %dma_start3A_22 = arith.constant 0 : i32
      %dma_start3A_23 = tpu.memref_slice %arg3[%add3A, %dma_start3A_21, %dma_start3A_22] : memref<32x1x128xi32, #tpu.memory_space<hbm>> -> memref<1x1x128xi32, #tpu.memory_space<hbm>>
      %dma_start3A_24 = tpu.memref_squeeze %dma_start3A_23 : memref<1x1x128xi32, #tpu.memory_space<hbm>> -> memref<1x128xi32, #tpu.memory_space<hbm>>
      %dma_start3A_25 = arith.constant 0 : i32
      %dma_start3A_26 = arith.constant 0 : i32
      %dma_start3A_27 = tpu.memref_slice %arg3[%add3A, %dma_start3A_25, %dma_start3A_26] : memref<32x1x128xi32, #tpu.memory_space<hbm>> -> memref<1x1x128xi32, #tpu.memory_space<hbm>>
      %dma_start3A_28 = tpu.memref_squeeze %dma_start3A_27 : memref<1x1x128xi32, #tpu.memory_space<hbm>> -> memref<1x128xi32, #tpu.memory_space<hbm>>
      tpu.enqueue_dma source(%dma_start3A_28 : memref<1x128xi32, #tpu.memory_space<hbm>>) target(%arg5 : memref<1x128xi32, #tpu.memory_space<vmem>>) target_semaphore(%run_scoped3A : memref<!tpu.dma_semaphore, #tpu.memory_space<semaphore_mem>>)
      %dma_wait3A_29 = arith.constant 0 : i32
      %dma_wait3A_30 = arith.constant 0 : i32
      %dma_wait3A_31 = tpu.memref_slice %arg3[%add3A, %dma_wait3A_29, %dma_wait3A_30] : memref<32x1x128xi32, #tpu.memory_space<hbm>> -> memref<1x1x128xi32, #tpu.memory_space<hbm>>
      %dma_wait3A_32 = tpu.memref_squeeze %dma_wait3A_31 : memref<1x1x128xi32, #tpu.memory_space<hbm>> -> memref<1x128xi32, #tpu.memory_space<hbm>>
      %dma_wait3A_33 = arith.constant 0 : i32
      %dma_wait3A_34 = arith.constant 0 : i32
      %dma_wait3A_35 = tpu.memref_slice %arg3[%add3A, %dma_wait3A_33, %dma_wait3A_34] : memref<32x1x128xi32, #tpu.memory_space<hbm>> -> memref<1x1x128xi32, #tpu.memory_space<hbm>>
      %dma_wait3A_36 = tpu.memref_squeeze %dma_wait3A_35 : memref<1x1x128xi32, #tpu.memory_space<hbm>> -> memref<1x128xi32, #tpu.memory_space<hbm>>
      tpu.wait_dma2 semaphore(%run_scoped3A : memref<!tpu.dma_semaphore, #tpu.memory_space<semaphore_mem>>) src(%dma_wait3A_36 : memref<1x128xi32, #tpu.memory_space<hbm>>) dst(%arg5 : memref<1x128xi32, #tpu.memory_space<vmem>>)
      tpu.yield
    }) : () -> ()
    %dma_start3A = arith.constant 0 : i32
    %dma_start3A_3 = arith.constant 0 : i32
    %dma_start3A_4 = arith.constant 0 : i32
    %dma_start3A_5 = tpu.memref_slice %arg6[%dma_start3A_3, %dma_start3A_4] : memref<128x128xf32, #tpu.memory_space<vmem>> -> memref<128x128xf32, #tpu.memory_space<vmem>>
    %dma_start3A_6 = arith.constant 0 : i32
    %dma_start3A_7 = tpu.memref_slice %arg5[%dma_start3A, %dma_start3A_6] : memref<1x128xi32, #tpu.memory_space<vmem>> -> memref<1x128xi32, #tpu.memory_space<vmem>>
    %dma_start3A_8 = tpu.memref_squeeze %dma_start3A_7 : memref<1x128xi32, #tpu.memory_space<vmem>> -> memref<128xi32, #tpu.memory_space<vmem>>
    %dma_start3A_9 = arith.constant 0 : i32
    %dma_start3A_10 = arith.constant 0 : i32
    %dma_start3A_11 = tpu.memref_slice %arg2[%dma_start3A_9, %dma_start3A_10] : memref<512x128xf32, #tpu.memory_space<hbm>> -> memref<512x128xf32, #tpu.memory_space<hbm>>
    tpu.enqueue_indirect_dma source(%dma_start3A_11 : memref<512x128xf32, #tpu.memory_space<hbm>>) target(%dma_start3A_5 : memref<128x128xf32, #tpu.memory_space<vmem>>) offsets(%dma_start3A_8 : memref<128xi32, #tpu.memory_space<vmem>>) semaphore(%arg7 : memref<!tpu.dma_semaphore, #tpu.memory_space<semaphore_mem>>)
    %dma_wait3A = arith.constant 0 : i32
    %dma_wait3A_12 = arith.constant 0 : i32
    %dma_wait3A_13 = arith.constant 0 : i32
    %dma_wait3A_14 = tpu.memref_slice %arg6[%dma_wait3A_12, %dma_wait3A_13] : memref<128x128xf32, #tpu.memory_space<vmem>> -> memref<128x128xf32, #tpu.memory_space<vmem>>
    %dma_wait3A_15 = arith.constant 0 : i32
    %dma_wait3A_16 = tpu.memref_slice %arg5[%dma_wait3A, %dma_wait3A_15] : memref<1x128xi32, #tpu.memory_space<vmem>> -> memref<1x128xi32, #tpu.memory_space<vmem>>
    %dma_wait3A_17 = tpu.memref_squeeze %dma_wait3A_16 : memref<1x128xi32, #tpu.memory_space<vmem>> -> memref<128xi32, #tpu.memory_space<vmem>>
    %dma_wait3A_18 = arith.constant 0 : i32
    %dma_wait3A_19 = arith.constant 0 : i32
    %dma_wait3A_20 = tpu.memref_slice %arg2[%dma_wait3A_18, %dma_wait3A_19] : memref<512x128xf32, #tpu.memory_space<hbm>> -> memref<512x128xf32, #tpu.memory_space<hbm>>
    tpu.wait_indirect_dma semaphore(%arg7 : memref<!tpu.dma_semaphore, #tpu.memory_space<semaphore_mem>>) src(%dma_wait3A_20 : memref<512x128xf32, #tpu.memory_space<hbm>>) dst(%dma_wait3A_14 : memref<128x128xf32, #tpu.memory_space<vmem>>)
    "tpu.region"() ({
      %run_scoped3A = tpu.sem_alloc : memref<!tpu.dma_semaphore, #tpu.memory_space<semaphore_mem>>
      %dma_start3A_21 = arith.constant 0 : i32
      %dma_start3A_22 = tpu.memref_slice %arg4[%mul3A_2, %dma_start3A_21] : memref<4096x128xf32, #tpu.memory_space<hbm>> -> memref<128x128xf32, #tpu.memory_space<hbm>>
      %dma_start3A_23 = arith.constant 0 : i32
      %dma_start3A_24 = tpu.memref_slice %arg4[%mul3A_2, %dma_start3A_23] : memref<4096x128xf32, #tpu.memory_space<hbm>> -> memref<128x128xf32, #tpu.memory_space<hbm>>
      tpu.enqueue_dma source(%arg6 : memref<128x128xf32, #tpu.memory_space<vmem>>) target(%dma_start3A_24 : memref<128x128xf32, #tpu.memory_space<hbm>>) target_semaphore(%run_scoped3A : memref<!tpu.dma_semaphore, #tpu.memory_space<semaphore_mem>>)
      %dma_wait3A_25 = arith.constant 0 : i32
      %dma_wait3A_26 = tpu.memref_slice %arg4[%mul3A_2, %dma_wait3A_25] : memref<4096x128xf32, #tpu.memory_space<hbm>> -> memref<128x128xf32, #tpu.memory_space<hbm>>
      %dma_wait3A_27 = arith.constant 0 : i32
      %dma_wait3A_28 = tpu.memref_slice %arg4[%mul3A_2, %dma_wait3A_27] : memref<4096x128xf32, #tpu.memory_space<hbm>> -> memref<128x128xf32, #tpu.memory_space<hbm>>
      tpu.wait_dma2 semaphore(%run_scoped3A : memref<!tpu.dma_semaphore, #tpu.memory_space<semaphore_mem>>) src(%arg6 : memref<128x128xf32, #tpu.memory_space<vmem>>) dst(%dma_wait3A_28 : memref<128x128xf32, #tpu.memory_space<hbm>>)
      tpu.yield
    }) : () -> ()
    return
  }
}

module attributes {stable_mosaic.version = 14 : i64} {
  func.func @argmin_h3(%arg0: i32, %arg1: memref<32x4096xf32, #tpu.memory_space<vmem>>, %arg2: memref<512x32xf32, #tpu.memory_space<vmem>>, %arg3: memref<1x1x4096xi32, #tpu.memory_space<vmem>>) attributes {dimension_semantics = [#tpu.dimension_semantics<arbitrary>], iteration_bounds = array<i64: 1>, scalar_prefetch = 0 : i64, scratch_operands = 0 : i64, tpu.core_type = #tpu.core_type<tc>, window_params = [{transform_indices = @transform_0, window_bounds = array<i64: 32, 4096>}, {pipeline_mode = #tpu.pipeline_mode<synchronous>, transform_indices = @transform_1, window_bounds = array<i64: 512, 32>}, {transform_indices = @transform_2, window_bounds = array<i64: 1, 1, 4096>}]} {
    %get3A = arith.constant 0 : index
    %get3A_0 = arith.constant 0 : index
    %get3A_1 = vector.load %arg1[%get3A, %get3A_0] : memref<32x4096xf32, #tpu.memory_space<vmem>>, vector<32x4096xf32>
    %get3A_2 = arith.constant 0 : index
    %get3A_3 = arith.constant 0 : index
    %get3A_4 = vector.load %arg2[%get3A_2, %get3A_3] : memref<512x32xf32, #tpu.memory_space<vmem>>, vector<512x32xf32>
    %mul3A = arith.mulf %get3A_4, %get3A_4 : vector<512x32xf32>
    %reduce_sum3A = arith.constant dense<0.000000e+00> : vector<512xf32>
    %reduce_sum3A_5 = vector.multi_reduction <add>, %mul3A, %reduce_sum3A [1] : vector<512x32xf32> to vector<512xf32>
    %broadcast_in_dim3A = vector.shape_cast %reduce_sum3A_5 : vector<512xf32> to vector<512x1xf32>
    %dot_general3A = arith.constant dense<0.000000e+00> : vector<512x4096xf32>
    %dot_general3A_6 = tpu.matmul %get3A_4, %get3A_1, %dot_general3A {dimension_numbers = #tpu.dot_dimension_numbers<[1], [0], [0], [1], [0, 0, 1, 1], [], []>, precision = #tpu.contract_precision<fp32>, transpose_lhs_hint = false} : vector<512x32xf32>, vector<32x4096xf32>, vector<512x4096xf32> -> vector<512x4096xf32>
    %mul3A_7 = arith.constant 2.000000e+00 : f32
    %mul3A_8 = vector.broadcast %mul3A_7 : f32 to vector<512x4096xf32>
    %mul3A_9 = arith.mulf %mul3A_8, %dot_general3A_6 : vector<512x4096xf32>
    %sub3A = vector.broadcast %broadcast_in_dim3A : vector<512x1xf32> to vector<512x4096xf32>
    %sub3A_10 = arith.subf %sub3A, %mul3A_9 : vector<512x4096xf32>
    %argmin3A = tpu.reduce_index %sub3A_10 {axis = 0 : i32, kind = #tpu.reduction_kind<arg_min>} : vector<512x4096xf32> -> vector<4096xi32>
    %swap3A = arith.constant 0 : index
    %swap3A_11 = arith.constant 0 : index
    %swap3A_12 = arith.constant 0 : index
    %swap3A_13 = vector.load %arg3[%swap3A, %swap3A_11, %swap3A_12] : memref<1x1x4096xi32, #tpu.memory_space<vmem>>, vector<1x1x4096xi32>
    %swap3A_14 = vector.shape_cast %swap3A_13 : vector<1x1x4096xi32> to vector<4096xi32>
    %swap3A_15 = vector.shape_cast %argmin3A : vector<4096xi32> to vector<1x1x4096xi32>
    tpu.vector_store %arg3[%swap3A, %swap3A_11, %swap3A_12], %swap3A_15 {strides = array<i32>} : memref<1x1x4096xi32, #tpu.memory_space<vmem>>, vector<1x1x4096xi32>,
    return
  }
  func.func @transform_0(%arg0: i32) -> (i32, i32) {
    %add3A = arith.constant 3 : i32
    %add3A_0 = arith.addi %arg0, %add3A : i32
    %c0_i32 = arith.constant 0 : i32
    %c0_i32_1 = arith.constant 0 : i32
    return %c0_i32, %add3A_0 : i32, i32
  }
  func.func @transform_1(%arg0: i32) -> (i32, i32) {
    %c0_i32 = arith.constant 0 : i32
    %c0_i32_0 = arith.constant 0 : i32
    %c0_i32_1 = arith.constant 0 : i32
    return %c0_i32, %c0_i32_0 : i32, i32
  }
  func.func @transform_2(%arg0: i32) -> (i32, i32, i32) {
    %c0_i32 = arith.constant 0 : i32
    %c0_i32_0 = arith.constant 0 : i32
    %c0_i32_1 = arith.constant 0 : i32
    return %arg0, %c0_i32, %c0_i32_0 : i32, i32, i32
  }
}

module attributes {stable_mosaic.version = 14 : i64} {
  func.func @argmin_h0(%arg0: i32, %arg1: memref<32x4096xf32, #tpu.memory_space<vmem>>, %arg2: memref<512x32xf32, #tpu.memory_space<vmem>>, %arg3: memref<1x1x4096xi32, #tpu.memory_space<vmem>>) attributes {dimension_semantics = [#tpu.dimension_semantics<arbitrary>], iteration_bounds = array<i64: 1>, scalar_prefetch = 0 : i64, scratch_operands = 0 : i64, tpu.core_type = #tpu.core_type<tc>, window_params = [{transform_indices = @transform_0, window_bounds = array<i64: 32, 4096>}, {pipeline_mode = #tpu.pipeline_mode<synchronous>, transform_indices = @transform_1, window_bounds = array<i64: 512, 32>}, {transform_indices = @transform_2, window_bounds = array<i64: 1, 1, 4096>}]} {
    %get3A = arith.constant 0 : index
    %get3A_0 = arith.constant 0 : index
    %get3A_1 = vector.load %arg1[%get3A, %get3A_0] : memref<32x4096xf32, #tpu.memory_space<vmem>>, vector<32x4096xf32>
    %get3A_2 = arith.constant 0 : index
    %get3A_3 = arith.constant 0 : index
    %get3A_4 = vector.load %arg2[%get3A_2, %get3A_3] : memref<512x32xf32, #tpu.memory_space<vmem>>, vector<512x32xf32>
    %mul3A = arith.mulf %get3A_4, %get3A_4 : vector<512x32xf32>
    %reduce_sum3A = arith.constant dense<0.000000e+00> : vector<512xf32>
    %reduce_sum3A_5 = vector.multi_reduction <add>, %mul3A, %reduce_sum3A [1] : vector<512x32xf32> to vector<512xf32>
    %broadcast_in_dim3A = vector.shape_cast %reduce_sum3A_5 : vector<512xf32> to vector<512x1xf32>
    %dot_general3A = arith.constant dense<0.000000e+00> : vector<512x4096xf32>
    %dot_general3A_6 = tpu.matmul %get3A_4, %get3A_1, %dot_general3A {dimension_numbers = #tpu.dot_dimension_numbers<[1], [0], [0], [1], [0, 0, 1, 1], [], []>, precision = #tpu.contract_precision<fp32>, transpose_lhs_hint = false} : vector<512x32xf32>, vector<32x4096xf32>, vector<512x4096xf32> -> vector<512x4096xf32>
    %mul3A_7 = arith.constant 2.000000e+00 : f32
    %mul3A_8 = vector.broadcast %mul3A_7 : f32 to vector<512x4096xf32>
    %mul3A_9 = arith.mulf %mul3A_8, %dot_general3A_6 : vector<512x4096xf32>
    %sub3A = vector.broadcast %broadcast_in_dim3A : vector<512x1xf32> to vector<512x4096xf32>
    %sub3A_10 = arith.subf %sub3A, %mul3A_9 : vector<512x4096xf32>
    %argmin3A = tpu.reduce_index %sub3A_10 {axis = 0 : i32, kind = #tpu.reduction_kind<arg_min>} : vector<512x4096xf32> -> vector<4096xi32>
    %swap3A = arith.constant 0 : index
    %swap3A_11 = arith.constant 0 : index
    %swap3A_12 = arith.constant 0 : index
    %swap3A_13 = vector.load %arg3[%swap3A, %swap3A_11, %swap3A_12] : memref<1x1x4096xi32, #tpu.memory_space<vmem>>, vector<1x1x4096xi32>
    %swap3A_14 = vector.shape_cast %swap3A_13 : vector<1x1x4096xi32> to vector<4096xi32>
    %swap3A_15 = vector.shape_cast %argmin3A : vector<4096xi32> to vector<1x1x4096xi32>
    tpu.vector_store %arg3[%swap3A, %swap3A_11, %swap3A_12], %swap3A_15 {strides = array<i32>} : memref<1x1x4096xi32, #tpu.memory_space<vmem>>, vector<1x1x4096xi32>,
    return
  }
  func.func @transform_0(%arg0: i32) -> (i32, i32) {
    %add3A = arith.constant 0 : i32
    %add3A_0 = arith.addi %arg0, %add3A : i32
    %c0_i32 = arith.constant 0 : i32
    %c0_i32_1 = arith.constant 0 : i32
    return %c0_i32, %add3A_0 : i32, i32
  }
  func.func @transform_1(%arg0: i32) -> (i32, i32) {
    %c0_i32 = arith.constant 0 : i32
    %c0_i32_0 = arith.constant 0 : i32
    %c0_i32_1 = arith.constant 0 : i32
    return %c0_i32, %c0_i32_0 : i32, i32
  }
  func.func @transform_2(%arg0: i32) -> (i32, i32, i32) {
    %c0_i32 = arith.constant 0 : i32
    %c0_i32_0 = arith.constant 0 : i32
    %c0_i32_1 = arith.constant 0 : i32
    return %arg0, %c0_i32, %c0_i32_0 : i32, i32, i32
  }
}

module attributes {stable_mosaic.version = 14 : i64} {
  func.func @argmin_h1(%arg0: i32, %arg1: memref<32x4096xf32, #tpu.memory_space<vmem>>, %arg2: memref<512x32xf32, #tpu.memory_space<vmem>>, %arg3: memref<1x1x4096xi32, #tpu.memory_space<vmem>>) attributes {dimension_semantics = [#tpu.dimension_semantics<arbitrary>], iteration_bounds = array<i64: 1>, scalar_prefetch = 0 : i64, scratch_operands = 0 : i64, tpu.core_type = #tpu.core_type<tc>, window_params = [{transform_indices = @transform_0, window_bounds = array<i64: 32, 4096>}, {pipeline_mode = #tpu.pipeline_mode<synchronous>, transform_indices = @transform_1, window_bounds = array<i64: 512, 32>}, {transform_indices = @transform_2, window_bounds = array<i64: 1, 1, 4096>}]} {
    %get3A = arith.constant 0 : index
    %get3A_0 = arith.constant 0 : index
    %get3A_1 = vector.load %arg1[%get3A, %get3A_0] : memref<32x4096xf32, #tpu.memory_space<vmem>>, vector<32x4096xf32>
    %get3A_2 = arith.constant 0 : index
    %get3A_3 = arith.constant 0 : index
    %get3A_4 = vector.load %arg2[%get3A_2, %get3A_3] : memref<512x32xf32, #tpu.memory_space<vmem>>, vector<512x32xf32>
    %mul3A = arith.mulf %get3A_4, %get3A_4 : vector<512x32xf32>
    %reduce_sum3A = arith.constant dense<0.000000e+00> : vector<512xf32>
    %reduce_sum3A_5 = vector.multi_reduction <add>, %mul3A, %reduce_sum3A [1] : vector<512x32xf32> to vector<512xf32>
    %broadcast_in_dim3A = vector.shape_cast %reduce_sum3A_5 : vector<512xf32> to vector<512x1xf32>
    %dot_general3A = arith.constant dense<0.000000e+00> : vector<512x4096xf32>
    %dot_general3A_6 = tpu.matmul %get3A_4, %get3A_1, %dot_general3A {dimension_numbers = #tpu.dot_dimension_numbers<[1], [0], [0], [1], [0, 0, 1, 1], [], []>, precision = #tpu.contract_precision<fp32>, transpose_lhs_hint = false} : vector<512x32xf32>, vector<32x4096xf32>, vector<512x4096xf32> -> vector<512x4096xf32>
    %mul3A_7 = arith.constant 2.000000e+00 : f32
    %mul3A_8 = vector.broadcast %mul3A_7 : f32 to vector<512x4096xf32>
    %mul3A_9 = arith.mulf %mul3A_8, %dot_general3A_6 : vector<512x4096xf32>
    %sub3A = vector.broadcast %broadcast_in_dim3A : vector<512x1xf32> to vector<512x4096xf32>
    %sub3A_10 = arith.subf %sub3A, %mul3A_9 : vector<512x4096xf32>
    %argmin3A = tpu.reduce_index %sub3A_10 {axis = 0 : i32, kind = #tpu.reduction_kind<arg_min>} : vector<512x4096xf32> -> vector<4096xi32>
    %swap3A = arith.constant 0 : index
    %swap3A_11 = arith.constant 0 : index
    %swap3A_12 = arith.constant 0 : index
    %swap3A_13 = vector.load %arg3[%swap3A, %swap3A_11, %swap3A_12] : memref<1x1x4096xi32, #tpu.memory_space<vmem>>, vector<1x1x4096xi32>
    %swap3A_14 = vector.shape_cast %swap3A_13 : vector<1x1x4096xi32> to vector<4096xi32>
    %swap3A_15 = vector.shape_cast %argmin3A : vector<4096xi32> to vector<1x1x4096xi32>
    tpu.vector_store %arg3[%swap3A, %swap3A_11, %swap3A_12], %swap3A_15 {strides = array<i32>} : memref<1x1x4096xi32, #tpu.memory_space<vmem>>, vector<1x1x4096xi32>,
    return
  }
  func.func @transform_0(%arg0: i32) -> (i32, i32) {
    %add3A = arith.constant 1 : i32
    %add3A_0 = arith.addi %arg0, %add3A : i32
    %c0_i32 = arith.constant 0 : i32
    %c0_i32_1 = arith.constant 0 : i32
    return %c0_i32, %add3A_0 : i32, i32
  }
  func.func @transform_1(%arg0: i32) -> (i32, i32) {
    %c0_i32 = arith.constant 0 : i32
    %c0_i32_0 = arith.constant 0 : i32
    %c0_i32_1 = arith.constant 0 : i32
    return %c0_i32, %c0_i32_0 : i32, i32
  }
  func.func @transform_2(%arg0: i32) -> (i32, i32, i32) {
    %c0_i32 = arith.constant 0 : i32
    %c0_i32_0 = arith.constant 0 : i32
    %c0_i32_1 = arith.constant 0 : i32
    return %arg0, %c0_i32, %c0_i32_0 : i32, i32, i32
  }
}

module attributes {stable_mosaic.version = 14 : i64} {
  func.func @argmin_h2(%arg0: i32, %arg1: memref<32x4096xf32, #tpu.memory_space<vmem>>, %arg2: memref<512x32xf32, #tpu.memory_space<vmem>>, %arg3: memref<1x1x4096xi32, #tpu.memory_space<vmem>>) attributes {dimension_semantics = [#tpu.dimension_semantics<arbitrary>], iteration_bounds = array<i64: 1>, scalar_prefetch = 0 : i64, scratch_operands = 0 : i64, tpu.core_type = #tpu.core_type<tc>, window_params = [{transform_indices = @transform_0, window_bounds = array<i64: 32, 4096>}, {pipeline_mode = #tpu.pipeline_mode<synchronous>, transform_indices = @transform_1, window_bounds = array<i64: 512, 32>}, {transform_indices = @transform_2, window_bounds = array<i64: 1, 1, 4096>}]} {
    %get3A = arith.constant 0 : index
    %get3A_0 = arith.constant 0 : index
    %get3A_1 = vector.load %arg1[%get3A, %get3A_0] : memref<32x4096xf32, #tpu.memory_space<vmem>>, vector<32x4096xf32>
    %get3A_2 = arith.constant 0 : index
    %get3A_3 = arith.constant 0 : index
    %get3A_4 = vector.load %arg2[%get3A_2, %get3A_3] : memref<512x32xf32, #tpu.memory_space<vmem>>, vector<512x32xf32>
    %mul3A = arith.mulf %get3A_4, %get3A_4 : vector<512x32xf32>
    %reduce_sum3A = arith.constant dense<0.000000e+00> : vector<512xf32>
    %reduce_sum3A_5 = vector.multi_reduction <add>, %mul3A, %reduce_sum3A [1] : vector<512x32xf32> to vector<512xf32>
    %broadcast_in_dim3A = vector.shape_cast %reduce_sum3A_5 : vector<512xf32> to vector<512x1xf32>
    %dot_general3A = arith.constant dense<0.000000e+00> : vector<512x4096xf32>
    %dot_general3A_6 = tpu.matmul %get3A_4, %get3A_1, %dot_general3A {dimension_numbers = #tpu.dot_dimension_numbers<[1], [0], [0], [1], [0, 0, 1, 1], [], []>, precision = #tpu.contract_precision<fp32>, transpose_lhs_hint = false} : vector<512x32xf32>, vector<32x4096xf32>, vector<512x4096xf32> -> vector<512x4096xf32>
    %mul3A_7 = arith.constant 2.000000e+00 : f32
    %mul3A_8 = vector.broadcast %mul3A_7 : f32 to vector<512x4096xf32>
    %mul3A_9 = arith.mulf %mul3A_8, %dot_general3A_6 : vector<512x4096xf32>
    %sub3A = vector.broadcast %broadcast_in_dim3A : vector<512x1xf32> to vector<512x4096xf32>
    %sub3A_10 = arith.subf %sub3A, %mul3A_9 : vector<512x4096xf32>
    %argmin3A = tpu.reduce_index %sub3A_10 {axis = 0 : i32, kind = #tpu.reduction_kind<arg_min>} : vector<512x4096xf32> -> vector<4096xi32>
    %swap3A = arith.constant 0 : index
    %swap3A_11 = arith.constant 0 : index
    %swap3A_12 = arith.constant 0 : index
    %swap3A_13 = vector.load %arg3[%swap3A, %swap3A_11, %swap3A_12] : memref<1x1x4096xi32, #tpu.memory_space<vmem>>, vector<1x1x4096xi32>
    %swap3A_14 = vector.shape_cast %swap3A_13 : vector<1x1x4096xi32> to vector<4096xi32>
    %swap3A_15 = vector.shape_cast %argmin3A : vector<4096xi32> to vector<1x1x4096xi32>
    tpu.vector_store %arg3[%swap3A, %swap3A_11, %swap3A_12], %swap3A_15 {strides = array<i32>} : memref<1x1x4096xi32, #tpu.memory_space<vmem>>, vector<1x1x4096xi32>,
    return
  }
  func.func @transform_0(%arg0: i32) -> (i32, i32) {
    %add3A = arith.constant 2 : i32
    %add3A_0 = arith.addi %arg0, %add3A : i32
    %c0_i32 = arith.constant 0 : i32
    %c0_i32_1 = arith.constant 0 : i32
    return %c0_i32, %add3A_0 : i32, i32
  }
  func.func @transform_1(%arg0: i32) -> (i32, i32) {
    %c0_i32 = arith.constant 0 : i32
    %c0_i32_0 = arith.constant 0 : i32
    %c0_i32_1 = arith.constant 0 : i32
    return %c0_i32, %c0_i32_0 : i32, i32
  }
  func.func @transform_2(%arg0: i32) -> (i32, i32, i32) {
    %c0_i32 = arith.constant 0 : i32
    %c0_i32_0 = arith.constant 0 : i32
    %c0_i32_1 = arith.constant 0 : i32
    return %arg0, %c0_i32, %c0_i32_0 : i32, i32, i32
  }
}

module attributes {stable_mosaic.version = 14 : i64} {
  func.func @_add_tc(%arg0: i32, %arg1: memref<32x4096xf32, #tpu.memory_space<vmem>>, %arg2: memref<4096x128xf32, #tpu.memory_space<vmem>>, %arg3: memref<4096x128xf32, #tpu.memory_space<vmem>>, %arg4: memref<4096x128xf32, #tpu.memory_space<vmem>>, %arg5: memref<4096x128xf32, #tpu.memory_space<vmem>>, %arg6: memref<32x4096xf32, #tpu.memory_space<vmem>>) attributes {dimension_semantics = [#tpu.dimension_semantics<arbitrary>], iteration_bounds = array<i64: 4>, scalar_prefetch = 0 : i64, scratch_operands = 0 : i64, tpu.core_type = #tpu.core_type<tc>, window_params = [{transform_indices = @transform_0, window_bounds = array<i64: 32, 4096>}, {transform_indices = @transform_1, window_bounds = array<i64: 4096, 128>}, {transform_indices = @transform_2, window_bounds = array<i64: 4096, 128>}, {transform_indices = @transform_3, window_bounds = array<i64: 4096, 128>}, {transform_indices = @transform_4, window_bounds = array<i64: 4096, 128>}, {transform_indices = @transform_5, window_bounds = array<i64: 32, 4096>}]} {
    %get3A = arith.constant 0 : index
    %get3A_0 = arith.constant 0 : index
    %get3A_1 = vector.load %arg5[%get3A, %get3A_0] : memref<4096x128xf32, #tpu.memory_space<vmem>>, vector<4096x32xf32>
    %lt3A = arith.constant 3 : i32
    %lt3A_2 = arith.cmpi slt, %arg0, %lt3A : i32
    %get3A_3 = arith.constant 0 : index
    %get3A_4 = arith.constant 0 : index
    %get3A_5 = vector.load %arg4[%get3A_3, %get3A_4] : memref<4096x128xf32, #tpu.memory_space<vmem>>, vector<4096x32xf32>
    %select_n3A = arith.select %lt3A_2, %get3A_5, %get3A_1 : vector<4096x32xf32>
    %lt3A_6 = arith.constant 2 : i32
    %lt3A_7 = arith.cmpi slt, %arg0, %lt3A_6 : i32
    %get3A_8 = arith.constant 0 : index
    %get3A_9 = arith.constant 0 : index
    %get3A_10 = vector.load %arg3[%get3A_8, %get3A_9] : memref<4096x128xf32, #tpu.memory_space<vmem>>, vector<4096x32xf32>
    %select_n3A_11 = arith.select %lt3A_7, %get3A_10, %select_n3A : vector<4096x32xf32>
    %lt3A_12 = arith.constant 1 : i32
    %lt3A_13 = arith.cmpi slt, %arg0, %lt3A_12 : i32
    %get3A_14 = arith.constant 0 : index
    %get3A_15 = arith.constant 0 : index
    %get3A_16 = vector.load %arg2[%get3A_14, %get3A_15] : memref<4096x128xf32, #tpu.memory_space<vmem>>, vector<4096x32xf32>
    %select_n3A_17 = arith.select %lt3A_13, %get3A_16, %select_n3A_11 : vector<4096x32xf32>
    %get3A_18 = arith.constant 0 : index
    %get3A_19 = arith.constant 0 : index
    %get3A_20 = vector.load %arg1[%get3A_18, %get3A_19] : memref<32x4096xf32, #tpu.memory_space<vmem>>, vector<32x4096xf32>
    %transpose3A = tpu.transpose %select_n3A_17, [1, 0] : vector<4096x32xf32> -> vector<32x4096xf32>
    %add3A = arith.addf %get3A_20, %transpose3A : vector<32x4096xf32>
    %swap3A = arith.constant 0 : index
    %swap3A_21 = arith.constant 0 : index
    %swap3A_22 = vector.load %arg6[%swap3A, %swap3A_21] : memref<32x4096xf32, #tpu.memory_space<vmem>>, vector<32x4096xf32>
    tpu.vector_store %arg6[%swap3A, %swap3A_21], %add3A {strides = array<i32>} : memref<32x4096xf32, #tpu.memory_space<vmem>>, vector<32x4096xf32>,
    return
  }
  func.func @transform_0(%arg0: i32) -> (i32, i32) {
    %c0_i32 = arith.constant 0 : i32
    %c0_i32_0 = arith.constant 0 : i32
    return %c0_i32, %arg0 : i32, i32
  }
  func.func @transform_1(%arg0: i32) -> (i32, i32) {
    %sub3A = arith.constant 0 : i32
    %sub3A_0 = arith.subi %arg0, %sub3A : i32
    %jit3A = arith.constant 0 : i32
    %jit3A_1 = arith.constant 0 : i32
    %max3A = arith.maxsi %jit3A, %sub3A_0 : i32
    %min3A = arith.minsi %jit3A_1, %max3A : i32
    %c0_i32 = arith.constant 0 : i32
    %c0_i32_2 = arith.constant 0 : i32
    return %min3A, %c0_i32 : i32, i32
  }
  func.func @transform_2(%arg0: i32) -> (i32, i32) {
    %sub3A = arith.constant 1 : i32
    %sub3A_0 = arith.subi %arg0, %sub3A : i32
    %jit3A = arith.constant 0 : i32
    %jit3A_1 = arith.constant 0 : i32
    %max3A = arith.maxsi %jit3A, %sub3A_0 : i32
    %min3A = arith.minsi %jit3A_1, %max3A : i32
    %c0_i32 = arith.constant 0 : i32
    %c0_i32_2 = arith.constant 0 : i32
    return %min3A, %c0_i32 : i32, i32
  }
  func.func @transform_3(%arg0: i32) -> (i32, i32) {
    %sub3A = arith.constant 2 : i32
    %sub3A_0 = arith.subi %arg0, %sub3A : i32
    %jit3A = arith.constant 0 : i32
    %jit3A_1 = arith.constant 0 : i32
    %max3A = arith.maxsi %jit3A, %sub3A_0 : i32
    %min3A = arith.minsi %jit3A_1, %max3A : i32
    %c0_i32 = arith.constant 0 : i32
    %c0_i32_2 = arith.constant 0 : i32
    return %min3A, %c0_i32 : i32, i32
  }
  func.func @transform_4(%arg0: i32) -> (i32, i32) {
    %sub3A = arith.constant 3 : i32
    %sub3A_0 = arith.subi %arg0, %sub3A : i32
    %jit3A = arith.constant 0 : i32
    %jit3A_1 = arith.constant 0 : i32
    %max3A = arith.maxsi %jit3A, %sub3A_0 : i32
    %min3A = arith.minsi %jit3A_1, %max3A : i32
    %c0_i32 = arith.constant 0 : i32
    %c0_i32_2 = arith.constant 0 : i32
    return %min3A, %c0_i32 : i32, i32
  }
  func.func @transform_5(%arg0: i32) -> (i32, i32) {
    %c0_i32 = arith.constant 0 : i32
    %c0_i32_0 = arith.constant 0 : i32
    return %c0_i32, %arg0 : i32, i32
  }
}

</mosaic_0001>

<sc_bundles>
// kernel: kernel.10.cloned.1.call-start
scs
__scs_entry_jumppad:
0x0: {  	(pc) =	sbr.rel $0x88, $3  }
0x1: {  	(tag) =	ssettag $0x0;
	lr =	simm.s32 $0x1  }
0x2: {  	[smem:$0x3F9F] =	sst lr;
	_ =	strace $0xD0000000  }
0x3: {  	_ = 	snop  }
0x4: {  	_ = 	snop  }
0x5: {  	_ = 	snop  }
0x6: {  	_ = 	snop  }
0x7: {  	_ = 	snop  }
__scs_overlays_trampoline_lowered:
0x8: {  	[smem:$0x3FAE] =	sst s0  }
0x9: {  	[smem:$0x3FAF] =	sst s1  }
0xa: {  	[smem:$0x3FB0] =	sst s2  }
0xb: {  	[smem:$0x3FB1] =	sst s3  }
0xc: {  	[smem:$0x3FB2] =	sst s4  }
0xd: {  	[smem:$0x3FB3] =	sst s5  }
0xe: {  	[smem:$0x3FB4] =	sst s6  }
0xf: {  	[smem:$0x3FB5] =	sst s7  }
0x10: {  	[smem:$0x3FB6] =	sst s8  }
0x11: {  	[smem:$0x3FB7] =	sst s9;
	s0 =	simm.s32 @!p0 $0x0  }
0x12: {  	s1 =	sld [smem:$0x3F9D];
	s0 =	simm.s32 @p0 $0x1  }
0x13: {  	[smem:$0x3FB8] =	sst s0;
	s0 =	simm.s32 @!p1 $0x0  }
0x14: {  	s2 =	sld [smem:$0x3F9C];
	s0 =	simm.s32 @p1 $0x1  }
0x15: {  	[smem:$0x3FB9] =	sst s0;
	s0 =	simm.s32 @!p2 $0x0  }
0x16: {  	s3 =	sld [smem:$0x3FDB];
	s0 =	simm.s32 @p2 $0x1  }
0x17: {  	s4 =	simm.s32 $0x1BF5;
	[smem:$0x3FBB] =	sst s0  }
0x18: {  	s0 =	sld [smem:$0x3F9E];
	_ =	swait.ge [sflag:s4], $0x0  }
0x19: {  	s7 =	sld [smem:$0x3F9F]  }
0x1a: {  	s8 =	sadd.s32 $0xFFFFE003, lr  }
0x1b: {  	s9 =	sadd.s32 $0xFFFFFEF7, lr;
	s5 =	simm.s32 $0xFFFFFFFF;
	p2 =	slt.u32 s8, $0xFFFFF086  }
0x1c: {  	p1 =	slt.u32 s9, $0xF7A;
	s5 =	simm.s32 @!p2 $0x0  }
0x1d: {  	s5 =	simm.s32 @p1 $0x1;
	p0 =	seq.s32 s7, s2  }
0x1e: {  	s7 =	smul.u32 @!p0 $0xF7A, s2;
	p2 =	seq.s32 @!p0 s5, $0x0  }
0x1f: {  	s9 =	smul.u32 $0xF7A, s1;
	s8 =	simm.s32 @!p0 $0x1BF5;
	p2 =	por !p2, p0  }
0x20: {  	[sflag:s8] =	ssyncset.s32 @!p0 $0xFFFFF086;
	s6 =	sadd.s32 @!p0 s3, s7;
	s7 =	simm.s32 @!p0 $0x108  }
0x21: {  	s3 =	sadd.s32 s3, s9;
	s6 =	sadd.s32 @!p0 $0x88, s6;
	s7 =	simm.s32 @p2 $0x1082  }
0x22: {  	[simem:s7], [sflag:s8] =	dma.local @!p0 [hbm:s6], $0xF7A  }
0x23: {  	s9 =	sor.u32 $0xD0000000, s2;
	s6 =	simm.s32 $0x108;
	_ =	swait.ge @!p0 [sflag:s8], $0x0  }
0x24: {  	s3 =	sadd.s32 $0x88, s3;
	s6 =	simm.s32 @!p1 $0x1082;
	[sflag:s4] =	ssyncset.s32 $0xFFFFF086  }
0x25: {  	[simem:s6], [sflag:s4] =	dma.local [hbm:s3], $0xF7A  }
0x26: {  	[smem:$0x3F9F] =	sst s1;
	(tag) =	ssettag s2;
	_ =	strace s9  }
0x27: {  	s1 =	sld [smem:$0x3FAF]  }
0x28: {  	s2 =	sld [smem:$0x3FB0]  }
0x29: {  	s4 =	sld [smem:$0x3FB2]  }
0x2a: {  	p0 =	seq.s32 s5, $0x0;
	s5 =	sld [smem:$0x3FB3]  }
0x2b: {  	s6 =	sld [smem:$0x3FB4]  }
0x2c: {  	s7 =	sld [smem:$0x3FB5]  }
0x2d: {  	s3 =	simm.s32 $0x108;
	s8 =	sld [smem:$0x3FB6]  }
0x2e: {  	s3 =	simm.s32 @!p0 $0x1082;
	s9 =	sld [smem:$0x3FB7]  }
0x2f: {  	lr =	sadd.s32 s0, s3;
	s0 =	sld [smem:$0x3FAE]  }
0x30: {  	s3 =	sld [smem:$0x3FB1]  }
0x31: {  	[smem:$0x3FBA] =	sst s10  }
0x32: {  	s10 =	sld [smem:$0x3FB8];
	_ =	sdelay $0x3  }
0x33: {  	p0 =	seq.s32 s10, $0x1;
	s10 =	sld [smem:$0x3FBA];
	_ =	sdelay $0x3  }
0x34: {  	[smem:$0x3FBA] =	sst s10  }
0x35: {  	s10 =	sld [smem:$0x3FB9];
	_ =	sdelay $0x3  }
0x36: {  	p1 =	seq.s32 s10, $0x1;
	s10 =	sld [smem:$0x3FBA];
	_ =	sdelay $0x3  }
0x37: {  	[smem:$0x3FBA] =	sst s10  }
0x38: {  	s10 =	sld [smem:$0x3FBB]  }
0x39: {  	_ = 	snop;
	(pc) =	sbr.ind lr, $3  }
0x3a: {  	_ = 	snop  }
0x3b: {  	_ = 	snop  }
0x3c: {  	p2 =	seq.s32 s10, $0x1;
	s10 =	sld [smem:$0x3FBA]  }
0x3d: {  	_ =	shalt  }
0x3e: {  	_ =	shalt  }
0x3f: {  	_ =	shalt  }
0x40: {  	_ =	shalt  }
0x41: {  	_ =	shalt  }
0x42: {  	_ =	shalt  }
0x43: {  	_ =	shalt  }
0x44: {  	_ =	shalt  }
0x45: {  	_ =	shalt  }
0x46: {  	_ =	shalt  }
0x47: {  	_ =	shalt  }
0x48: {  	_ =	shalt  }
0x49: {  	_ =	shalt  }
0x4a: {  	_ =	shalt  }
0x4b: {  	_ =	shalt  }
0x4c: {  	_ =	shalt  }
0x4d: {  	_ =	shalt  }
0x4e: {  	_ =	shalt  }
0x4f: {  	_ =	shalt  }
0x50: {  	_ =	shalt  }
0x51: {  	_ =	shalt  }
0x52: {  	_ =	shalt  }
0x53: {  	_ =	shalt  }
0x54: {  	_ =	shalt  }
0x55: {  	_ =	shalt  }
0x56: {  	_ =	shalt  }
0x57: {  	_ =	shalt  }
0x58: {  	_ =	shalt  }
0x59: {  	_ =	shalt  }
0x5a: {  	_ =	shalt  }
0x5b: {  	_ =	shalt  }
0x5c: {  	_ =	shalt  }
0x5d: {  	_ =	shalt  }
0x5e: {  	_ =	shalt  }
0x5f: {  	_ =	shalt  }
0x60: {  	_ =	shalt  }
0x61: {  	_ =	shalt  }
0x62: {  	_ =	shalt  }
0x63: {  	_ =	shalt  }
0x64: {  	_ =	shalt  }
0x65: {  	_ =	shalt  }
0x66: {  	_ =	shalt  }
0x67: {  	_ =	shalt  }
0x68: {  	_ =	shalt  }
0x69: {  	_ =	shalt  }
0x6a: {  	_ =	shalt  }
0x6b: {  	_ =	shalt  }
0x6c: {  	_ =	shalt  }
0x6d: {  	_ =	shalt  }
0x6e: {  	_ =	shalt  }
0x6f: {  	_ =	shalt  }
0x70: {  	_ =	shalt  }
0x71: {  	_ =	shalt  }
0x72: {  	_ =	shalt  }
0x73: {  	_ =	shalt  }
0x74: {  	_ =	shalt  }
0x75: {  	_ =	shalt  }
0x76: {  	_ =	shalt  }
0x77: {  	_ =	shalt  }
0x78: {  	_ =	shalt  }
0x79: {  	_ =	shalt  }
0x7a: {  	_ =	shalt  }
0x7b: {  	_ =	shalt  }
0x7c: {  	_ =	shalt  }
0x7d: {  	_ =	shalt  }
0x7e: {  	_ =	shalt  }
0x7f: {  	_ =	shalt  }
0x80: {  	_ =	shalt  }
0x81: {  	_ =	shalt  }
0x82: {  	_ =	shalt  }
0x83: {  	_ =	shalt  }
0x84: {  	_ =	shalt  }
0x85: {  	_ =	shalt  }
0x86: {  	_ =	shalt  }
0x87: {  	_ =	shalt  }
.Lfunc_end0:
.L_simem_size_0:
called_computation.1_lowered:
.L_overlay_start_0:
0x88: {  	s2 =	sld [smem:$0x3FD9]  }
0x89: {  	s3 =	sld [smem:$0x3FFE];
	_ =	sdelay $0x1  }
0x8a: {  	s1 =	srdreg.scid  }
0x8b: {  	s0 =	sand.u32 $0x1, s1  }
0x8c: {  	s17 =	sshll.u32 s0, $0xA;
	s2 =	sadd.s32 s3, s2  }
0x8d: {  	s2 =	sadd.s32 s2, s17  }
0x8e: {  	[smem:$0x3FC6] =	sst s2  }
0x8f: {  	_ = 	snop  }
0x90: {  	s18 =	sld [smem:$0x3FD0];
	(tm) =	ssettm $0x1  }
0x91: {  	s19 =	sld [smem:$0x3FFB];
	_ =	sdelay $0x3  }
0x92: {  	_ =	strace s19  }
0x93: {  	s2 =	sld [smem:$0x3FFC];
	_ =	sdelay $0x3  }
0x94: {  	_ =	strace s2  }
0x95: {  	s2 =	sld [smem:$0x3FFD];
	_ =	sdelay $0x3  }
0x96: {  	_ =	strace s2  }
0x97: {  	_ =	strace $0x8FFFFFFF  }
0x98: {  	s20 =	sld [smem:$0x3FDB];
	_ =	sdelay $0x1  }
0x99: {  	s4 =	simm.s32 $_scs_section_size  }
0x9a: {  	s5 =	simm.s32 $_size__tile_overlayer_lowered;
	s6 =	simm.s32 $_tile_overlayer_lowered  }
0x9b: {  	s7 =	simm.s32 $0x1BFF;
	s21 =	sshll.u32 s6, $0x1;
	s4 =	sadd.s32 s4, s20  }
0x9c: {  	s22 =	simm.s32 $0x0;
	s5 =	sshll.u32 s5, $0x1;
	s6 =	sadd.s32 s21, s4  }
0x9d: {  	[timem:s22], [sflag:s7] =	dma.local [hbm:s6], s5  }
0x9e: {  	_ =	swait.ge [sflag:s7], s5  }
0x9f: {  	s5 =	ssub.s32 $0x0, s5;
	[sflag:s7] =	ssyncset.done $0x0  }
0xa0: {  	[sflag:s7] =	ssyncadd.s32 s5;
	_ =	sdelay $0x1  }
0xa1: {  	s23 =	simm.s32 $0x1B8B  }
0xa2: {  	_ =	swait.ge [sflag:s23], $0x1  }
0xa3: {  	[sflag:s23] =	ssyncset.done $0x0  }
0xa4: {  	[sflag:s23] =	ssyncadd.s32 $0xFFFFFFFF  }
0xa5: {  	s5 =	sld [smem:$0x0]  }
0xa6: {  	s6 =	sand.u32 $0xFFFFFFFE, s1  }
0xa7: {  	p0 =	sne.s32 s1, s6  }
0xa8: {  	s6 =	sshll.u32 @p0 s6, $0xE  }
0xa9: {  	s6 =	sadd.s32 @p0 $0x11B8D, s6;
	s7 =	sshll.u32 @p0 s5, $0x11  }
0xaa: {  	s6 =	sor.u32 @p0 s7, s6  }
0xab: {  	[sflag:s6] =	ssyncadd.remote.s32 @p0 $0x1;
	_ =	sdelay $0x1  }
0xac: {  	s6 =	simm.s32 @p0 $0x1B8D  }
0xad: {  	_ =	swait.eq @p0 [sflag:s6], $0x1  }
0xae: {  	[sflag:s6] =	ssyncadd.s32 @p0 $0xFFFFFFFF  }
0xaf: {  	s7 =	sshll.u32 @!p0 s1, $0xE  }
0xb0: {  	s7 =	sor.u32 @!p0 $0x4000, s7;
	s6 =	simm.s32 @!p0 $0x1B8D  }
0xb1: {  	s5 =	sshll.u32 @!p0 s5, $0x11;
	s7 =	sadd.s32 @!p0 $0x11B8D, s7;
	_ =	swait.eq @!p0 [sflag:s6], $0x1  }
0xb2: {  	s5 =	sor.u32 @!p0 s5, s7;
	[sflag:s6] =	ssyncadd.s32 @!p0 $0xFFFFFFFF  }
0xb3: {  	s25 =	simm.s32 $0x1B8E;
	s24 =	sld [smem:$0x3FFE];
	[sflag:s5] =	ssyncadd.remote.s32 @!p0 $0x1  }
0xb4: {  	s26 =	simm.s32 $execute0_lowered;
	[smem:$0x3FD2] =	sst s25  }
0xb5: {  	s6 =	sshll.u32 s26, $0x1;
	_ =	strace $0x8000004F;
	[dreg:$0x1] =	wrdreg $0xFFFFFFFF  }
0xb6: {  	s28 =	simm.s32 $_size_execute0_lowered;
	s4 =	sadd.s32 s4, s6;
	[dreg:$0x0] =	wrdreg $0x0  }
0xb7: {  	s6 =	sshll.u32 s28, $0x1;
	[dreg:$0x2] =	wrdreg s4  }
0xb8: {  	[dreg:$0x3] =	wrdreg s6  }
0xb9: {  	[dreg:$0x4] =	wrdreg $0xC0  }
0xba: {  	_ =	task [dreg:s22], $0x5FFFF  }
0xbb: {  	[dreg:$0x1] =	wrdreg $0xFFFFFFFF  }
0xbc: {  	[dreg:$0x0] =	wrdreg $0x60  }
0xbd: {  	[dreg:$0x2] =	wrdreg s24  }
0xbe: {  	[dreg:$0x3] =	wrdreg s18  }
0xbf: {  	[dreg:$0x4] =	wrdreg $0xA  }
0xc0: {  	_ =	task.clear_ibuf [dreg:s22], $0x5FFFF;
	_ =	strace $0x9000004F  }
0xc1: {  	s29 =	simm.s32 $0xA;
	_ =	strace $0x80000051  }
0xc2: {  	_ =	swait.ge [sflag:s29], $0x1  }
0xc3: {  	[sflag:s29] =	ssyncadd.s32 $0xFFFFFFFF  }
0xc4: {  	_ =	strace $0x90000051  }
0xc5: {  	_ =	sfence  }
0xc6: {  	s30 =	sld [smem:$0x0];
	_ =	sdelay $0x2  }
0xc7: {  	s31 =	sshll.u32 s1, $0xD;
	s1 =	sshrl.u32 s1, $0x2  }
0xc8: {  	s4 =	sand.u32 $0x4000, s31;
	s1 =	sadd.s32 s1, s30  }
0xc9: {  	s0 =	sor.u32 s4, s0;
	s1 =	sshll.u32 s1, $0x11  }
0xca: {  	s0 =	sor.u32 s1, s0  }
0xcb: {  	s0 =	sadd.s32 $0x8F2B, s0  }
0xcc: {  	[sflag:s0] =	ssyncadd.remote.s32 $0x1  }
0xcd: {  	_ =	sfence.sel $0xFFFF  }
0xce: {  	[dreg:$0x0] =	wrdreg $0xFFFFFFFF;
	(pc) =	sbr.abs _section_cstart, $3  }
0xcf: {  	[dreg:$0x1] =	wrdreg $0xFFFFFFFF  }
0xd0: {  	_ =	task.clear_ibuf [dreg:s22], $0x2FFFF;
	_ =	strace $0x9FFFFFFF  }
0xd1: {  	(tm) =	ssettm $0x7FFFFFFF  }
tec
execute0_lowered:
.L_overlay_start_1:
0x0: {  	(tag) =	ssettag $0x1  }
0x1: {  	s1 =	srdreg.scid  }
0x2: {  	s0 =	stileid.u32;
	s6 =	sand.u32 $0x1, s1  }
0x3: {  	s5 =	rddreg [dreg:$0x0];
	s30 =	sshll.u32 s0, $0x8;
	s2 =	sshll.u32 s6, $0x7  }
0x4: {  	s8 =	rddreg [dreg:$0x1];
	s9 =	sor.u32 s2, s30  }
0x5: {  	s1 =	rddreg [dreg:$0x2];
	s2 =	simm.s32 $0x0;
	s3 =	sshrl.u32 s9, $0x3  }
0x6: {  	s10 =	ssub.s32 $0x2, s6;
	[smem:$0x7FF] =	sst s2;
	s3 =	sadd.s32 s3, s5  }
0x7: {  	_ =	strace $0x80000050;
	s4 =	sadd.s32 $0x34A00, s3;
	s3 =	simm.s32 $0x2  }
0x8: {  	[tilespmem:s2], [sflag:$0x2] =	stream.linear.gather [hbm4b:s4+s2], $0x80, $0x38;
	[tilespmem:$0x4080] =	vst v63  }
0x9: {  	s7 =	simm.s32 $0x1;
	s11 =	sshrl.u32 s10, $0x1;
	_ =	swait.ge [sflag:s3], $0x80  }
0xa: {  	s6 =	simm.s32 $0x80;
	s10 =	ssub.s32 s10, s11;
	[sflag:s3] =	ssyncset.done $0x0  }
0xb: {  	s5 =	sadd.s32 $0x2600, s5;
	s31 =	smax.u32 s10, $0x1;
	[sflag:s3] =	ssyncadd.s32 $0xFFFFFF80  }
0xc: {  	[tilespmem:s6], [sflag:$0x1] =	stream.indirect.gather [hbm4b:s5+s6], $0x80, s2, s6, $0xb8;
	[tilespmem:$0x4080] =	vst v63  }
0xd: {  	p0 =	sne.s32 s31, $0x1;
	_ =	swait.ge [sflag:s7], $0x4000  }
.Ltmp0:
0xe: {  	s9 =	sshll.u32 s9, $0x4;
	[sflag:s7] =	ssyncset.done $0x0;
	(pc) =	sbr.rel @!p0 .LBB2_2-.Ltmp0, $4  }
0xf: {  	s8 =	sadd.s32 s8, s9;
	[sflag:s7] =	ssyncadd.s32 $0xFFFFC000  }
0x10: {  	[hbm4b:s8+s2] =	stream.linear.scatter [tilespmem:s6], [sflag:$0x2], $0x4000, $0x38;
	[tilespmem:$0x4080] =	vst v63  }
0x11: {  	_ =	swait.ge [sflag:s3], $0x4000  }
0x12: {  	s9 =	sadd.s32 $0xFFFFFFFF, s31;
	[sflag:s3] =	ssyncset.done $0x0  }
.LBB2_1:
0x13: {  	p0 =	sne.s32 s9, $0x1;
	s9 =	sadd.s32 $0xFFFFFFFF, s9;
	[sflag:s3] =	ssyncadd.s32 $0xFFFFC000  }
0x14: {  	[tilespmem:s2], [sflag:$0x2] =	stream.linear.gather [hbm4b:s4+s2], $0x80, $0x38;
	[tilespmem:$0x4080] =	vst v63  }
0x15: {  	_ =	swait.ge [sflag:s3], $0x80  }
0x16: {  	[sflag:s3] =	ssyncset.done $0x0  }
0x17: {  	[sflag:s3] =	ssyncadd.s32 $0xFFFFFF80  }
0x18: {  	[tilespmem:s6], [sflag:$0x1] =	stream.indirect.gather [hbm4b:s5+s6], $0x80, s2, s6, $0xb8;
	[tilespmem:$0x4080] =	vst v63  }
0x19: {  	_ =	swait.ge [sflag:s7], $0x4000  }
.Ltmp1:
0x1a: {  	[sflag:s7] =	ssyncset.done $0x0;
	(pc) =	sbr.rel @p0 .LBB2_1-.Ltmp1, $4  }
0x1b: {  	[sflag:s7] =	ssyncadd.s32 $0xFFFFC000  }
0x1c: {  	[hbm4b:s8+s2] =	stream.linear.scatter [tilespmem:s6], [sflag:$0x2], $0x4000, $0x38;
	[tilespmem:$0x4080] =	vst v63  }
0x1d: {  	_ =	swait.ge [sflag:s3], $0x4000  }
0x1e: {  	[sflag:s3] =	ssyncset.done $0x0  }
.LBB2_2:
0x1f: {  	[sflag:s3] =	ssyncadd.s32 $0xFFFFC000  }
0x20: {  	_ =	sfence.sel $0x180000  }
0x21: {  	[bflag:$0x0] =	sbarrier.arrive $0xFFFF  }
0x22: {  	p0 =	sne.s32 s0, $0x0;
	_ =	strace $0x90000050  }
0x23: {  	s0 =	sadd.s32 @!p0 $0x100000, s1;
	[bflag:$0x2] =	sbarrier.arrive $0xFFFF  }
0x24: {  	[sflag:s0] =	ssyncadd.tile.s32 @!p0 $0x1;
	_ =	shalt  }
.Lfunc_end2:
_tile_overlayer_lowered:
.L_overlay_start_2:
0x25: {  	(tag) =	ssettag $0x2  }
0x26: {  	s0 =	rddreg [dreg:$0x0];
	s2 =	stileid.u32  }
0x27: {  	s1 =	rddreg [dreg:$0x1];
	p0 =	sne.s32 s2, $0x0  }
0x28: {  	s3 =	rddreg [dreg:$0x2];
	[bflag:$0x3] =	sbarrier.arrive $0xFFFF;
	s2 =	simm.s32 @!p0 $0x1C02  }
0x29: {  	[timem:s3], [sflag:s2] =	dma.local @!p0 [hbm:s0], s1  }
0x2a: {  	s0 =	simm.s32 @!p0 $0x2  }
0x2b: {  	_ =	swait.ge @!p0 [sflag:s0], s1  }
0x2c: {  	s1 =	ssub.s32 @!p0 $0x0, s1;
	[sflag:s0] =	ssyncset.done @!p0 $0x0  }
0x2d: {  	[sflag:s0] =	ssyncadd.s32 @!p0 s1  }
0x2e: {  	[bflag:$0x3] =	sbarrier.arrive $0xFFFF  }
0x2f: {  	_ =	shalt  }

// kernel: kernel.13.cloned.1.call-start
scs
__scs_entry_jumppad:
0x0: {  	(pc) =	sbr.rel $0x88, $3  }
0x1: {  	(tag) =	ssettag $0x0;
	lr =	simm.s32 $0x1  }
0x2: {  	[smem:$0x3F9F] =	sst lr;
	_ =	strace $0xD0000000  }
0x3: {  	_ = 	snop  }
0x4: {  	_ = 	snop  }
0x5: {  	_ = 	snop  }
0x6: {  	_ = 	snop  }
0x7: {  	_ = 	snop  }
__scs_overlays_trampoline_lowered:
0x8: {  	[smem:$0x3FAE] =	sst s0  }
0x9: {  	[smem:$0x3FAF] =	sst s1  }
0xa: {  	[smem:$0x3FB0] =	sst s2  }
0xb: {  	[smem:$0x3FB1] =	sst s3  }
0xc: {  	[smem:$0x3FB2] =	sst s4  }
0xd: {  	[smem:$0x3FB3] =	sst s5  }
0xe: {  	[smem:$0x3FB4] =	sst s6  }
0xf: {  	[smem:$0x3FB5] =	sst s7  }
0x10: {  	[smem:$0x3FB6] =	sst s8  }
0x11: {  	[smem:$0x3FB7] =	sst s9;
	s0 =	simm.s32 @!p0 $0x0  }
0x12: {  	s1 =	sld [smem:$0x3F9D];
	s0 =	simm.s32 @p0 $0x1  }
0x13: {  	[smem:$0x3FB8] =	sst s0;
	s0 =	simm.s32 @!p1 $0x0  }
0x14: {  	s2 =	sld [smem:$0x3F9C];
	s0 =	simm.s32 @p1 $0x1  }
0x15: {  	[smem:$0x3FB9] =	sst s0;
	s0 =	simm.s32 @!p2 $0x0  }
0x16: {  	s3 =	sld [smem:$0x3FDB];
	s0 =	simm.s32 @p2 $0x1  }
0x17: {  	s4 =	simm.s32 $0x1BF5;
	[smem:$0x3FBB] =	sst s0  }
0x18: {  	s0 =	sld [smem:$0x3F9E];
	_ =	swait.ge [sflag:s4], $0x0  }
0x19: {  	s7 =	sld [smem:$0x3F9F]  }
0x1a: {  	s8 =	sadd.s32 $0xFFFFE003, lr  }
0x1b: {  	s9 =	sadd.s32 $0xFFFFFEF7, lr;
	s5 =	simm.s32 $0xFFFFFFFF;
	p2 =	slt.u32 s8, $0xFFFFF086  }
0x1c: {  	p1 =	slt.u32 s9, $0xF7A;
	s5 =	simm.s32 @!p2 $0x0  }
0x1d: {  	s5 =	simm.s32 @p1 $0x1;
	p0 =	seq.s32 s7, s2  }
0x1e: {  	s7 =	smul.u32 @!p0 $0xF7A, s2;
	p2 =	seq.s32 @!p0 s5, $0x0  }
0x1f: {  	s9 =	smul.u32 $0xF7A, s1;
	s8 =	simm.s32 @!p0 $0x1BF5;
	p2 =	por !p2, p0  }
0x20: {  	[sflag:s8] =	ssyncset.s32 @!p0 $0xFFFFF086;
	s6 =	sadd.s32 @!p0 s3, s7;
	s7 =	simm.s32 @!p0 $0x108  }
0x21: {  	s3 =	sadd.s32 s3, s9;
	s6 =	sadd.s32 @!p0 $0x88, s6;
	s7 =	simm.s32 @p2 $0x1082  }
0x22: {  	[simem:s7], [sflag:s8] =	dma.local @!p0 [hbm:s6], $0xF7A  }
0x23: {  	s9 =	sor.u32 $0xD0000000, s2;
	s6 =	simm.s32 $0x108;
	_ =	swait.ge @!p0 [sflag:s8], $0x0  }
0x24: {  	s3 =	sadd.s32 $0x88, s3;
	s6 =	simm.s32 @!p1 $0x1082;
	[sflag:s4] =	ssyncset.s32 $0xFFFFF086  }
0x25: {  	[simem:s6], [sflag:s4] =	dma.local [hbm:s3], $0xF7A  }
0x26: {  	[smem:$0x3F9F] =	sst s1;
	(tag) =	ssettag s2;
	_ =	strace s9  }
0x27: {  	s1 =	sld [smem:$0x3FAF]  }
0x28: {  	s2 =	sld [smem:$0x3FB0]  }
0x29: {  	s4 =	sld [smem:$0x3FB2]  }
0x2a: {  	p0 =	seq.s32 s5, $0x0;
	s5 =	sld [smem:$0x3FB3]  }
0x2b: {  	s6 =	sld [smem:$0x3FB4]  }
0x2c: {  	s7 =	sld [smem:$0x3FB5]  }
0x2d: {  	s3 =	simm.s32 $0x108;
	s8 =	sld [smem:$0x3FB6]  }
0x2e: {  	s3 =	simm.s32 @!p0 $0x1082;
	s9 =	sld [smem:$0x3FB7]  }
0x2f: {  	lr =	sadd.s32 s0, s3;
	s0 =	sld [smem:$0x3FAE]  }
0x30: {  	s3 =	sld [smem:$0x3FB1]  }
0x31: {  	[smem:$0x3FBA] =	sst s10  }
0x32: {  	s10 =	sld [smem:$0x3FB8];
	_ =	sdelay $0x3  }
0x33: {  	p0 =	seq.s32 s10, $0x1;
	s10 =	sld [smem:$0x3FBA];
	_ =	sdelay $0x3  }
0x34: {  	[smem:$0x3FBA] =	sst s10  }
0x35: {  	s10 =	sld [smem:$0x3FB9];
	_ =	sdelay $0x3  }
0x36: {  	p1 =	seq.s32 s10, $0x1;
	s10 =	sld [smem:$0x3FBA];
	_ =	sdelay $0x3  }
0x37: {  	[smem:$0x3FBA] =	sst s10  }
0x38: {  	s10 =	sld [smem:$0x3FBB]  }
0x39: {  	_ = 	snop;
	(pc) =	sbr.ind lr, $3  }
0x3a: {  	_ = 	snop  }
0x3b: {  	_ = 	snop  }
0x3c: {  	p2 =	seq.s32 s10, $0x1;
	s10 =	sld [smem:$0x3FBA]  }
0x3d: {  	_ =	shalt  }
0x3e: {  	_ =	shalt  }
0x3f: {  	_ =	shalt  }
0x40: {  	_ =	shalt  }
0x41: {  	_ =	shalt  }
0x42: {  	_ =	shalt  }
0x43: {  	_ =	shalt  }
0x44: {  	_ =	shalt  }
0x45: {  	_ =	shalt  }
0x46: {  	_ =	shalt  }
0x47: {  	_ =	shalt  }
0x48: {  	_ =	shalt  }
0x49: {  	_ =	shalt  }
0x4a: {  	_ =	shalt  }
0x4b: {  	_ =	shalt  }
0x4c: {  	_ =	shalt  }
0x4d: {  	_ =	shalt  }
0x4e: {  	_ =	shalt  }
0x4f: {  	_ =	shalt  }
0x50: {  	_ =	shalt  }
0x51: {  	_ =	shalt  }
0x52: {  	_ =	shalt  }
0x53: {  	_ =	shalt  }
0x54: {  	_ =	shalt  }
0x55: {  	_ =	shalt  }
0x56: {  	_ =	shalt  }
0x57: {  	_ =	shalt  }
0x58: {  	_ =	shalt  }
0x59: {  	_ =	shalt  }
0x5a: {  	_ =	shalt  }
0x5b: {  	_ =	shalt  }
0x5c: {  	_ =	shalt  }
0x5d: {  	_ =	shalt  }
0x5e: {  	_ =	shalt  }
0x5f: {  	_ =	shalt  }
0x60: {  	_ =	shalt  }
0x61: {  	_ =	shalt  }
0x62: {  	_ =	shalt  }
0x63: {  	_ =	shalt  }
0x64: {  	_ =	shalt  }
0x65: {  	_ =	shalt  }
0x66: {  	_ =	shalt  }
0x67: {  	_ =	shalt  }
0x68: {  	_ =	shalt  }
0x69: {  	_ =	shalt  }
0x6a: {  	_ =	shalt  }
0x6b: {  	_ =	shalt  }
0x6c: {  	_ =	shalt  }
0x6d: {  	_ =	shalt  }
0x6e: {  	_ =	shalt  }
0x6f: {  	_ =	shalt  }
0x70: {  	_ =	shalt  }
0x71: {  	_ =	shalt  }
0x72: {  	_ =	shalt  }
0x73: {  	_ =	shalt  }
0x74: {  	_ =	shalt  }
0x75: {  	_ =	shalt  }
0x76: {  	_ =	shalt  }
0x77: {  	_ =	shalt  }
0x78: {  	_ =	shalt  }
0x79: {  	_ =	shalt  }
0x7a: {  	_ =	shalt  }
0x7b: {  	_ =	shalt  }
0x7c: {  	_ =	shalt  }
0x7d: {  	_ =	shalt  }
0x7e: {  	_ =	shalt  }
0x7f: {  	_ =	shalt  }
0x80: {  	_ =	shalt  }
0x81: {  	_ =	shalt  }
0x82: {  	_ =	shalt  }
0x83: {  	_ =	shalt  }
0x84: {  	_ =	shalt  }
0x85: {  	_ =	shalt  }
0x86: {  	_ =	shalt  }
0x87: {  	_ =	shalt  }
.Lfunc_end0:
.L_simem_size_0:
called_computation.2_lowered:
.L_overlay_start_0:
0x88: {  	s2 =	sld [smem:$0x3FD9]  }
0x89: {  	s3 =	sld [smem:$0x3FFE];
	_ =	sdelay $0x1  }
0x8a: {  	s1 =	srdreg.scid  }
0x8b: {  	s0 =	sand.u32 $0x1, s1  }
0x8c: {  	s17 =	sshll.u32 s0, $0xA;
	s2 =	sadd.s32 s3, s2  }
0x8d: {  	s2 =	sadd.s32 s2, s17  }
0x8e: {  	[smem:$0x3FC6] =	sst s2  }
0x8f: {  	_ = 	snop  }
0x90: {  	(tm) =	ssettm $0x1  }
0x91: {  	s18 =	sld [smem:$0x3FFB];
	_ =	sdelay $0x3  }
0x92: {  	_ =	strace s18  }
0x93: {  	s2 =	sld [smem:$0x3FFC];
	_ =	sdelay $0x3  }
0x94: {  	_ =	strace s2  }
0x95: {  	s2 =	sld [smem:$0x3FFD];
	_ =	sdelay $0x3  }
0x96: {  	_ =	strace s2  }
0x97: {  	_ =	strace $0x8FFFFFFF  }
0x98: {  	s19 =	sld [smem:$0x3FDB];
	_ =	sdelay $0x1  }
0x99: {  	s20 =	simm.s32 $_scs_section_size  }
0x9a: {  	s4 =	simm.s32 $_size__tile_overlayer_lowered;
	s5 =	simm.s32 $_tile_overlayer_lowered  }
0x9b: {  	s6 =	simm.s32 $0x1BFF;
	s21 =	sshll.u32 s5, $0x1;
	s3 =	sadd.s32 s20, s19  }
0x9c: {  	s22 =	simm.s32 $0x0;
	s4 =	sshll.u32 s4, $0x1;
	s5 =	sadd.s32 s21, s3  }
0x9d: {  	[timem:s22], [sflag:s6] =	dma.local [hbm:s5], s4  }
0x9e: {  	_ =	swait.ge [sflag:s6], s4  }
0x9f: {  	s4 =	ssub.s32 $0x0, s4;
	[sflag:s6] =	ssyncset.done $0x0  }
0xa0: {  	[sflag:s6] =	ssyncadd.s32 s4;
	_ =	sdelay $0x1  }
0xa1: {  	s23 =	simm.s32 $0x1B8B  }
0xa2: {  	_ =	swait.ge [sflag:s23], $0x1  }
0xa3: {  	[sflag:s23] =	ssyncset.done $0x0  }
0xa4: {  	[sflag:s23] =	ssyncadd.s32 $0xFFFFFFFF  }
0xa5: {  	s4 =	sld [smem:$0x0]  }
0xa6: {  	s5 =	sand.u32 $0xFFFFFFFE, s1  }
0xa7: {  	p0 =	sne.s32 s1, s5  }
0xa8: {  	s5 =	sshll.u32 @p0 s5, $0xE  }
0xa9: {  	s5 =	sadd.s32 @p0 $0x11B8D, s5;
	s6 =	sshll.u32 @p0 s4, $0x11  }
0xaa: {  	s5 =	sor.u32 @p0 s6, s5  }
0xab: {  	[sflag:s5] =	ssyncadd.remote.s32 @p0 $0x1;
	_ =	sdelay $0x1  }
0xac: {  	s5 =	simm.s32 @p0 $0x1B8D  }
0xad: {  	_ =	swait.eq @p0 [sflag:s5], $0x1  }
0xae: {  	[sflag:s5] =	ssyncadd.s32 @p0 $0xFFFFFFFF  }
0xaf: {  	s6 =	sshll.u32 @!p0 s1, $0xE  }
0xb0: {  	s6 =	sor.u32 @!p0 $0x4000, s6;
	s5 =	simm.s32 @!p0 $0x1B8D  }
0xb1: {  	s4 =	sshll.u32 @!p0 s4, $0x11;
	s6 =	sadd.s32 @!p0 $0x11B8D, s6;
	_ =	swait.eq @!p0 [sflag:s5], $0x1  }
0xb2: {  	s4 =	sor.u32 @!p0 s4, s6;
	[sflag:s5] =	ssyncadd.s32 @!p0 $0xFFFFFFFF  }
0xb3: {  	s25 =	simm.s32 $0x1B8E;
	s24 =	sld [smem:$0x3FFE];
	[sflag:s4] =	ssyncadd.remote.s32 @!p0 $0x1  }
0xb4: {  	s26 =	simm.s32 $execute0_lowered;
	[smem:$0x3FD2] =	sst s25  }
0xb5: {  	s5 =	sshll.u32 s26, $0x1;
	_ =	strace $0x8000004C;
	[dreg:$0x1] =	wrdreg $0xFFFFFFFF  }
0xb6: {  	s28 =	simm.s32 $_size_execute0_lowered;
	s3 =	sadd.s32 s3, s5;
	[dreg:$0x0] =	wrdreg $0x0  }
0xb7: {  	s5 =	sshll.u32 s28, $0x1;
	[dreg:$0x2] =	wrdreg s3  }
0xb8: {  	[dreg:$0x3] =	wrdreg s5  }
0xb9: {  	[dreg:$0x4] =	wrdreg $0xC0  }
0xba: {  	_ =	task [dreg:s22], $0x5FFFF  }
0xbb: {  	[dreg:$0x1] =	wrdreg $0xFFFFFFFF  }
0xbc: {  	[dreg:$0x0] =	wrdreg $0x60  }
0xbd: {  	[dreg:$0x2] =	wrdreg s24  }
0xbe: {  	[dreg:$0x3] =	wrdreg $0xB  }
0xbf: {  	_ =	task.clear_ibuf [dreg:s22], $0x4FFFF;
	_ =	strace $0x9000004C  }
0xc0: {  	s29 =	simm.s32 $0xB;
	_ =	strace $0x8000004E  }
0xc1: {  	_ =	swait.ge [sflag:s29], $0x1  }
0xc2: {  	[sflag:s29] =	ssyncadd.s32 $0xFFFFFFFF  }
0xc3: {  	_ =	strace $0x9000004E  }
0xc4: {  	_ =	sfence  }
0xc5: {  	s30 =	sld [smem:$0x0];
	_ =	sdelay $0x2  }
0xc6: {  	s31 =	sshll.u32 s1, $0xD;
	s1 =	sshrl.u32 s1, $0x2  }
0xc7: {  	s4 =	sand.u32 $0x4000, s31;
	s1 =	sadd.s32 s1, s30  }
0xc8: {  	s0 =	sor.u32 s4, s0;
	s1 =	sshll.u32 s1, $0x11  }
0xc9: {  	s0 =	sor.u32 s1, s0  }
0xca: {  	s0 =	sadd.s32 $0x8F2B, s0  }
0xcb: {  	[sflag:s0] =	ssyncadd.remote.s32 $0x1  }
0xcc: {  	_ =	sfence.sel $0xFFFF  }
0xcd: {  	[dreg:$0x0] =	wrdreg $0xFFFFFFFF;
	(pc) =	sbr.abs _section_cstart, $3  }
0xce: {  	[dreg:$0x1] =	wrdreg $0xFFFFFFFF  }
0xcf: {  	_ =	task.clear_ibuf [dreg:s22], $0x2FFFF;
	_ =	strace $0x9FFFFFFF  }
0xd0: {  	(tm) =	ssettm $0x7FFFFFFF  }
0xd1: {  	_ =	shalt  }
tec
execute0_lowered:
.L_overlay_start_1:
0x0: {  	(tag) =	ssettag $0x1  }
0x1: {  	s1 =	srdreg.scid  }
0x2: {  	s0 =	stileid.u32;
	s6 =	sand.u32 $0x1, s1  }
0x3: {  	s8 =	rddreg [dreg:$0x0];
	s30 =	sshll.u32 s0, $0x8;
	s2 =	sshll.u32 s6, $0x7  }
0x4: {  	s7 =	simm.s32 $0x1;
	s1 =	rddreg [dreg:$0x1];
	s9 =	sor.u32 s2, s30  }
0x5: {  	s5 =	sadd.s32 $0x2600, s8;
	s2 =	simm.s32 $0x0;
	s3 =	sshrl.u32 s9, $0x3  }
0x6: {  	s10 =	ssub.s32 $0x2, s6;
	[smem:$0x7FF] =	sst s2;
	s3 =	sadd.s32 s3, s8  }
0x7: {  	_ =	strace $0x8000004D;
	s4 =	sadd.s32 $0x24800, s3;
	s3 =	simm.s32 $0x2  }
0x8: {  	[tilespmem:s2], [sflag:$0x2] =	stream.linear.gather [hbm4b:s4+s2], $0x80, $0x38;
	[tilespmem:$0x4080] =	vst v63  }
0x9: {  	s6 =	simm.s32 $0x80;
	s11 =	sshrl.u32 s10, $0x1;
	_ =	swait.ge [sflag:s3], $0x80  }
0xa: {  	s9 =	sshll.u32 s9, $0x4;
	s31 =	ssub.s32 s10, s11;
	[sflag:s3] =	ssyncset.done $0x0  }
0xb: {  	s8 =	sadd.s32 s9, s8;
	s9 =	smax.u32 s31, $0x1;
	[sflag:s3] =	ssyncadd.s32 $0xFFFFFF80  }
0xc: {  	[tilespmem:s6], [sflag:$0x1] =	stream.indirect.gather [hbm4b:s5+s6], $0x80, s2, s6, $0xb8;
	[tilespmem:$0x4080] =	vst v63  }
0xd: {  	p0 =	sne.s32 s9, $0x1;
	_ =	swait.ge [sflag:s7], $0x4000  }
.Ltmp0:
0xe: {  	[sflag:s7] =	ssyncset.done $0x0;
	(pc) =	sbr.rel @!p0 .LBB2_2-.Ltmp0, $4  }
0xf: {  	s8 =	sadd.s32 $0x24A00, s8;
	[sflag:s7] =	ssyncadd.s32 $0xFFFFC000  }
0x10: {  	[hbm4b:s8+s2] =	stream.linear.scatter [tilespmem:s6], [sflag:$0x2], $0x4000, $0x38;
	[tilespmem:$0x4080] =	vst v63  }
0x11: {  	_ =	swait.ge [sflag:s3], $0x4000  }
0x12: {  	s9 =	sadd.s32 $0xFFFFFFFF, s9;
	[sflag:s3] =	ssyncset.done $0x0  }
.LBB2_1:
0x13: {  	p0 =	sne.s32 s9, $0x1;
	s9 =	sadd.s32 $0xFFFFFFFF, s9;
	[sflag:s3] =	ssyncadd.s32 $0xFFFFC000  }
0x14: {  	[tilespmem:s2], [sflag:$0x2] =	stream.linear.gather [hbm4b:s4+s2], $0x80, $0x38;
	[tilespmem:$0x4080] =	vst v63  }
0x15: {  	_ =	swait.ge [sflag:s3], $0x80  }
0x16: {  	[sflag:s3] =	ssyncset.done $0x0  }
0x17: {  	[sflag:s3] =	ssyncadd.s32 $0xFFFFFF80  }
0x18: {  	[tilespmem:s6], [sflag:$0x1] =	stream.indirect.gather [hbm4b:s5+s6], $0x80, s2, s6, $0xb8;
	[tilespmem:$0x4080] =	vst v63  }
0x19: {  	_ =	swait.ge [sflag:s7], $0x4000  }
.Ltmp1:
0x1a: {  	[sflag:s7] =	ssyncset.done $0x0;
	(pc) =	sbr.rel @p0 .LBB2_1-.Ltmp1, $4  }
0x1b: {  	[sflag:s7] =	ssyncadd.s32 $0xFFFFC000  }
0x1c: {  	[hbm4b:s8+s2] =	stream.linear.scatter [tilespmem:s6], [sflag:$0x2], $0x4000, $0x38;
	[tilespmem:$0x4080] =	vst v63  }
0x1d: {  	_ =	swait.ge [sflag:s3], $0x4000  }
0x1e: {  	[sflag:s3] =	ssyncset.done $0x0  }
.LBB2_2:
0x1f: {  	[sflag:s3] =	ssyncadd.s32 $0xFFFFC000  }
0x20: {  	_ =	sfence.sel $0x180000  }
0x21: {  	[bflag:$0x0] =	sbarrier.arrive $0xFFFF  }
0x22: {  	p0 =	sne.s32 s0, $0x0;
	_ =	strace $0x9000004D  }
0x23: {  	s0 =	sadd.s32 @!p0 $0x100000, s1;
	[bflag:$0x2] =	sbarrier.arrive $0xFFFF  }
0x24: {  	[sflag:s0] =	ssyncadd.tile.s32 @!p0 $0x1;
	_ =	shalt  }
.Lfunc_end2:
_tile_overlayer_lowered:
.L_overlay_start_2:
0x25: {  	(tag) =	ssettag $0x2  }
0x26: {  	s0 =	rddreg [dreg:$0x0];
	s2 =	stileid.u32  }
0x27: {  	s1 =	rddreg [dreg:$0x1];
	p0 =	sne.s32 s2, $0x0  }
0x28: {  	s3 =	rddreg [dreg:$0x2];
	[bflag:$0x3] =	sbarrier.arrive $0xFFFF;
	s2 =	simm.s32 @!p0 $0x1C02  }
0x29: {  	[timem:s3], [sflag:s2] =	dma.local @!p0 [hbm:s0], s1  }
0x2a: {  	s0 =	simm.s32 @!p0 $0x2  }
0x2b: {  	_ =	swait.ge @!p0 [sflag:s0], s1  }
0x2c: {  	s1 =	ssub.s32 @!p0 $0x0, s1;
	[sflag:s0] =	ssyncset.done @!p0 $0x0  }
0x2d: {  	[sflag:s0] =	ssyncadd.s32 @!p0 s1  }
0x2e: {  	[bflag:$0x3] =	sbarrier.arrive $0xFFFF  }
0x2f: {  	_ =	shalt  }

// kernel: kernel.16.cloned.1.call-start
scs
__scs_entry_jumppad:
0x0: {  	(pc) =	sbr.rel $0x88, $3  }
0x1: {  	(tag) =	ssettag $0x0;
	lr =	simm.s32 $0x1  }
0x2: {  	[smem:$0x3F9F] =	sst lr;
	_ =	strace $0xD0000000  }
0x3: {  	_ = 	snop  }
0x4: {  	_ = 	snop  }
0x5: {  	_ = 	snop  }
0x6: {  	_ = 	snop  }
0x7: {  	_ = 	snop  }
__scs_overlays_trampoline_lowered:
0x8: {  	[smem:$0x3FAE] =	sst s0  }
0x9: {  	[smem:$0x3FAF] =	sst s1  }
0xa: {  	[smem:$0x3FB0] =	sst s2  }
0xb: {  	[smem:$0x3FB1] =	sst s3  }
0xc: {  	[smem:$0x3FB2] =	sst s4  }
0xd: {  	[smem:$0x3FB3] =	sst s5  }
0xe: {  	[smem:$0x3FB4] =	sst s6  }
0xf: {  	[smem:$0x3FB5] =	sst s7  }
0x10: {  	[smem:$0x3FB6] =	sst s8  }
0x11: {  	[smem:$0x3FB7] =	sst s9;
	s0 =	simm.s32 @!p0 $0x0  }
0x12: {  	s1 =	sld [smem:$0x3F9D];
	s0 =	simm.s32 @p0 $0x1  }
0x13: {  	[smem:$0x3FB8] =	sst s0;
	s0 =	simm.s32 @!p1 $0x0  }
0x14: {  	s2 =	sld [smem:$0x3F9C];
	s0 =	simm.s32 @p1 $0x1  }
0x15: {  	[smem:$0x3FB9] =	sst s0;
	s0 =	simm.s32 @!p2 $0x0  }
0x16: {  	s3 =	sld [smem:$0x3FDB];
	s0 =	simm.s32 @p2 $0x1  }
0x17: {  	s4 =	simm.s32 $0x1BF5;
	[smem:$0x3FBB] =	sst s0  }
0x18: {  	s0 =	sld [smem:$0x3F9E];
	_ =	swait.ge [sflag:s4], $0x0  }
0x19: {  	s7 =	sld [smem:$0x3F9F]  }
0x1a: {  	s8 =	sadd.s32 $0xFFFFE003, lr  }
0x1b: {  	s9 =	sadd.s32 $0xFFFFFEF7, lr;
	s5 =	simm.s32 $0xFFFFFFFF;
	p2 =	slt.u32 s8, $0xFFFFF086  }
0x1c: {  	p1 =	slt.u32 s9, $0xF7A;
	s5 =	simm.s32 @!p2 $0x0  }
0x1d: {  	s5 =	simm.s32 @p1 $0x1;
	p0 =	seq.s32 s7, s2  }
0x1e: {  	s7 =	smul.u32 @!p0 $0xF7A, s2;
	p2 =	seq.s32 @!p0 s5, $0x0  }
0x1f: {  	s9 =	smul.u32 $0xF7A, s1;
	s8 =	simm.s32 @!p0 $0x1BF5;
	p2 =	por !p2, p0  }
0x20: {  	[sflag:s8] =	ssyncset.s32 @!p0 $0xFFFFF086;
	s6 =	sadd.s32 @!p0 s3, s7;
	s7 =	simm.s32 @!p0 $0x108  }
0x21: {  	s3 =	sadd.s32 s3, s9;
	s6 =	sadd.s32 @!p0 $0x88, s6;
	s7 =	simm.s32 @p2 $0x1082  }
0x22: {  	[simem:s7], [sflag:s8] =	dma.local @!p0 [hbm:s6], $0xF7A  }
0x23: {  	s9 =	sor.u32 $0xD0000000, s2;
	s6 =	simm.s32 $0x108;
	_ =	swait.ge @!p0 [sflag:s8], $0x0  }
0x24: {  	s3 =	sadd.s32 $0x88, s3;
	s6 =	simm.s32 @!p1 $0x1082;
	[sflag:s4] =	ssyncset.s32 $0xFFFFF086  }
0x25: {  	[simem:s6], [sflag:s4] =	dma.local [hbm:s3], $0xF7A  }
0x26: {  	[smem:$0x3F9F] =	sst s1;
	(tag) =	ssettag s2;
	_ =	strace s9  }
0x27: {  	s1 =	sld [smem:$0x3FAF]  }
0x28: {  	s2 =	sld [smem:$0x3FB0]  }
0x29: {  	s4 =	sld [smem:$0x3FB2]  }
0x2a: {  	p0 =	seq.s32 s5, $0x0;
	s5 =	sld [smem:$0x3FB3]  }
0x2b: {  	s6 =	sld [smem:$0x3FB4]  }
0x2c: {  	s7 =	sld [smem:$0x3FB5]  }
0x2d: {  	s3 =	simm.s32 $0x108;
	s8 =	sld [smem:$0x3FB6]  }
0x2e: {  	s3 =	simm.s32 @!p0 $0x1082;
	s9 =	sld [smem:$0x3FB7]  }
0x2f: {  	lr =	sadd.s32 s0, s3;
	s0 =	sld [smem:$0x3FAE]  }
0x30: {  	s3 =	sld [smem:$0x3FB1]  }
0x31: {  	[smem:$0x3FBA] =	sst s10  }
0x32: {  	s10 =	sld [smem:$0x3FB8];
	_ =	sdelay $0x3  }
0x33: {  	p0 =	seq.s32 s10, $0x1;
	s10 =	sld [smem:$0x3FBA];
	_ =	sdelay $0x3  }
0x34: {  	[smem:$0x3FBA] =	sst s10  }
0x35: {  	s10 =	sld [smem:$0x3FB9];
	_ =	sdelay $0x3  }
0x36: {  	p1 =	seq.s32 s10, $0x1;
	s10 =	sld [smem:$0x3FBA];
	_ =	sdelay $0x3  }
0x37: {  	[smem:$0x3FBA] =	sst s10  }
0x38: {  	s10 =	sld [smem:$0x3FBB]  }
0x39: {  	_ = 	snop;
	(pc) =	sbr.ind lr, $3  }
0x3a: {  	_ = 	snop  }
0x3b: {  	_ = 	snop  }
0x3c: {  	p2 =	seq.s32 s10, $0x1;
	s10 =	sld [smem:$0x3FBA]  }
0x3d: {  	_ =	shalt  }
0x3e: {  	_ =	shalt  }
0x3f: {  	_ =	shalt  }
0x40: {  	_ =	shalt  }
0x41: {  	_ =	shalt  }
0x42: {  	_ =	shalt  }
0x43: {  	_ =	shalt  }
0x44: {  	_ =	shalt  }
0x45: {  	_ =	shalt  }
0x46: {  	_ =	shalt  }
0x47: {  	_ =	shalt  }
0x48: {  	_ =	shalt  }
0x49: {  	_ =	shalt  }
0x4a: {  	_ =	shalt  }
0x4b: {  	_ =	shalt  }
0x4c: {  	_ =	shalt  }
0x4d: {  	_ =	shalt  }
0x4e: {  	_ =	shalt  }
0x4f: {  	_ =	shalt  }
0x50: {  	_ =	shalt  }
0x51: {  	_ =	shalt  }
0x52: {  	_ =	shalt  }
0x53: {  	_ =	shalt  }
0x54: {  	_ =	shalt  }
0x55: {  	_ =	shalt  }
0x56: {  	_ =	shalt  }
0x57: {  	_ =	shalt  }
0x58: {  	_ =	shalt  }
0x59: {  	_ =	shalt  }
0x5a: {  	_ =	shalt  }
0x5b: {  	_ =	shalt  }
0x5c: {  	_ =	shalt  }
0x5d: {  	_ =	shalt  }
0x5e: {  	_ =	shalt  }
0x5f: {  	_ =	shalt  }
0x60: {  	_ =	shalt  }
0x61: {  	_ =	shalt  }
0x62: {  	_ =	shalt  }
0x63: {  	_ =	shalt  }
0x64: {  	_ =	shalt  }
0x65: {  	_ =	shalt  }
0x66: {  	_ =	shalt  }
0x67: {  	_ =	shalt  }
0x68: {  	_ =	shalt  }
0x69: {  	_ =	shalt  }
0x6a: {  	_ =	shalt  }
0x6b: {  	_ =	shalt  }
0x6c: {  	_ =	shalt  }
0x6d: {  	_ =	shalt  }
0x6e: {  	_ =	shalt  }
0x6f: {  	_ =	shalt  }
0x70: {  	_ =	shalt  }
0x71: {  	_ =	shalt  }
0x72: {  	_ =	shalt  }
0x73: {  	_ =	shalt  }
0x74: {  	_ =	shalt  }
0x75: {  	_ =	shalt  }
0x76: {  	_ =	shalt  }
0x77: {  	_ =	shalt  }
0x78: {  	_ =	shalt  }
0x79: {  	_ =	shalt  }
0x7a: {  	_ =	shalt  }
0x7b: {  	_ =	shalt  }
0x7c: {  	_ =	shalt  }
0x7d: {  	_ =	shalt  }
0x7e: {  	_ =	shalt  }
0x7f: {  	_ =	shalt  }
0x80: {  	_ =	shalt  }
0x81: {  	_ =	shalt  }
0x82: {  	_ =	shalt  }
0x83: {  	_ =	shalt  }
0x84: {  	_ =	shalt  }
0x85: {  	_ =	shalt  }
0x86: {  	_ =	shalt  }
0x87: {  	_ =	shalt  }
.Lfunc_end0:
.L_simem_size_0:
called_computation.3_lowered:
.L_overlay_start_0:
0x88: {  	s2 =	sld [smem:$0x3FD9]  }
0x89: {  	s3 =	sld [smem:$0x3FFE];
	_ =	sdelay $0x1  }
0x8a: {  	s1 =	srdreg.scid  }
0x8b: {  	s0 =	sand.u32 $0x1, s1  }
0x8c: {  	s17 =	sshll.u32 s0, $0xA;
	s2 =	sadd.s32 s3, s2  }
0x8d: {  	s2 =	sadd.s32 s2, s17  }
0x8e: {  	[smem:$0x3FC6] =	sst s2  }
0x8f: {  	_ = 	snop  }
0x90: {  	(tm) =	ssettm $0x1  }
0x91: {  	s18 =	sld [smem:$0x3FFB];
	_ =	sdelay $0x3  }
0x92: {  	_ =	strace s18  }
0x93: {  	s2 =	sld [smem:$0x3FFC];
	_ =	sdelay $0x3  }
0x94: {  	_ =	strace s2  }
0x95: {  	s2 =	sld [smem:$0x3FFD];
	_ =	sdelay $0x3  }
0x96: {  	_ =	strace s2  }
0x97: {  	_ =	strace $0x8FFFFFFF  }
0x98: {  	s19 =	sld [smem:$0x3FDB];
	_ =	sdelay $0x1  }
0x99: {  	s20 =	simm.s32 $_scs_section_size  }
0x9a: {  	s4 =	simm.s32 $_size__tile_overlayer_lowered;
	s5 =	simm.s32 $_tile_overlayer_lowered  }
0x9b: {  	s6 =	simm.s32 $0x1BFF;
	s21 =	sshll.u32 s5, $0x1;
	s3 =	sadd.s32 s20, s19  }
0x9c: {  	s22 =	simm.s32 $0x0;
	s4 =	sshll.u32 s4, $0x1;
	s5 =	sadd.s32 s21, s3  }
0x9d: {  	[timem:s22], [sflag:s6] =	dma.local [hbm:s5], s4  }
0x9e: {  	_ =	swait.ge [sflag:s6], s4  }
0x9f: {  	s4 =	ssub.s32 $0x0, s4;
	[sflag:s6] =	ssyncset.done $0x0  }
0xa0: {  	[sflag:s6] =	ssyncadd.s32 s4;
	_ =	sdelay $0x1  }
0xa1: {  	s23 =	simm.s32 $0x1B8B  }
0xa2: {  	_ =	swait.ge [sflag:s23], $0x1  }
0xa3: {  	[sflag:s23] =	ssyncset.done $0x0  }
0xa4: {  	[sflag:s23] =	ssyncadd.s32 $0xFFFFFFFF  }
0xa5: {  	s4 =	sld [smem:$0x0]  }
0xa6: {  	s5 =	sand.u32 $0xFFFFFFFE, s1  }
0xa7: {  	p0 =	sne.s32 s1, s5  }
0xa8: {  	s5 =	sshll.u32 @p0 s5, $0xE  }
0xa9: {  	s5 =	sadd.s32 @p0 $0x11B8D, s5;
	s6 =	sshll.u32 @p0 s4, $0x11  }
0xaa: {  	s5 =	sor.u32 @p0 s6, s5  }
0xab: {  	[sflag:s5] =	ssyncadd.remote.s32 @p0 $0x1;
	_ =	sdelay $0x1  }
0xac: {  	s5 =	simm.s32 @p0 $0x1B8D  }
0xad: {  	_ =	swait.eq @p0 [sflag:s5], $0x1  }
0xae: {  	[sflag:s5] =	ssyncadd.s32 @p0 $0xFFFFFFFF  }
0xaf: {  	s6 =	sshll.u32 @!p0 s1, $0xE  }
0xb0: {  	s6 =	sor.u32 @!p0 $0x4000, s6;
	s5 =	simm.s32 @!p0 $0x1B8D  }
0xb1: {  	s4 =	sshll.u32 @!p0 s4, $0x11;
	s6 =	sadd.s32 @!p0 $0x11B8D, s6;
	_ =	swait.eq @!p0 [sflag:s5], $0x1  }
0xb2: {  	s4 =	sor.u32 @!p0 s4, s6;
	[sflag:s5] =	ssyncadd.s32 @!p0 $0xFFFFFFFF  }
0xb3: {  	s25 =	simm.s32 $0x1B8E;
	s24 =	sld [smem:$0x3FFE];
	[sflag:s4] =	ssyncadd.remote.s32 @!p0 $0x1  }
0xb4: {  	s26 =	simm.s32 $execute0_lowered;
	[smem:$0x3FD2] =	sst s25  }
0xb5: {  	s5 =	sshll.u32 s26, $0x1;
	_ =	strace $0x80000049;
	[dreg:$0x1] =	wrdreg $0xFFFFFFFF  }
0xb6: {  	s28 =	simm.s32 $_size_execute0_lowered;
	s3 =	sadd.s32 s3, s5;
	[dreg:$0x0] =	wrdreg $0x0  }
0xb7: {  	s5 =	sshll.u32 s28, $0x1;
	[dreg:$0x2] =	wrdreg s3  }
0xb8: {  	[dreg:$0x3] =	wrdreg s5  }
0xb9: {  	[dreg:$0x4] =	wrdreg $0xC0  }
0xba: {  	_ =	task [dreg:s22], $0x5FFFF  }
0xbb: {  	[dreg:$0x1] =	wrdreg $0xFFFFFFFF  }
0xbc: {  	[dreg:$0x0] =	wrdreg $0x60  }
0xbd: {  	[dreg:$0x2] =	wrdreg s24  }
0xbe: {  	[dreg:$0x3] =	wrdreg $0xC  }
0xbf: {  	_ =	task.clear_ibuf [dreg:s22], $0x4FFFF;
	_ =	strace $0x90000049  }
0xc0: {  	s29 =	simm.s32 $0xC;
	_ =	strace $0x8000004B  }
0xc1: {  	_ =	swait.ge [sflag:s29], $0x1  }
0xc2: {  	[sflag:s29] =	ssyncadd.s32 $0xFFFFFFFF  }
0xc3: {  	_ =	strace $0x9000004B  }
0xc4: {  	_ =	sfence  }
0xc5: {  	s30 =	sld [smem:$0x0];
	_ =	sdelay $0x2  }
0xc6: {  	s31 =	sshll.u32 s1, $0xD;
	s1 =	sshrl.u32 s1, $0x2  }
0xc7: {  	s4 =	sand.u32 $0x4000, s31;
	s1 =	sadd.s32 s1, s30  }
0xc8: {  	s0 =	sor.u32 s4, s0;
	s1 =	sshll.u32 s1, $0x11  }
0xc9: {  	s0 =	sor.u32 s1, s0  }
0xca: {  	s0 =	sadd.s32 $0x8F2B, s0  }
0xcb: {  	[sflag:s0] =	ssyncadd.remote.s32 $0x1  }
0xcc: {  	_ =	sfence.sel $0xFFFF  }
0xcd: {  	[dreg:$0x0] =	wrdreg $0xFFFFFFFF;
	(pc) =	sbr.abs _section_cstart, $3  }
0xce: {  	[dreg:$0x1] =	wrdreg $0xFFFFFFFF  }
0xcf: {  	_ =	task.clear_ibuf [dreg:s22], $0x2FFFF;
	_ =	strace $0x9FFFFFFF  }
0xd0: {  	(tm) =	ssettm $0x7FFFFFFF  }
0xd1: {  	_ =	shalt  }
tec
execute0_lowered:
.L_overlay_start_1:
0x0: {  	(tag) =	ssettag $0x1  }
0x1: {  	s1 =	srdreg.scid  }
0x2: {  	s0 =	stileid.u32;
	s6 =	sand.u32 $0x1, s1  }
0x3: {  	s8 =	rddreg [dreg:$0x0];
	s30 =	sshll.u32 s0, $0x8;
	s2 =	sshll.u32 s6, $0x7  }
0x4: {  	s7 =	simm.s32 $0x1;
	s1 =	rddreg [dreg:$0x1];
	s9 =	sor.u32 s2, s30  }
0x5: {  	s5 =	sadd.s32 $0x2600, s8;
	s2 =	simm.s32 $0x0;
	s3 =	sshrl.u32 s9, $0x3  }
0x6: {  	s10 =	ssub.s32 $0x2, s6;
	[smem:$0x7FF] =	sst s2;
	s3 =	sadd.s32 s3, s8  }
0x7: {  	_ =	strace $0x8000004A;
	s4 =	sadd.s32 $0x14600, s3;
	s3 =	simm.s32 $0x2  }
0x8: {  	[tilespmem:s2], [sflag:$0x2] =	stream.linear.gather [hbm4b:s4+s2], $0x80, $0x38;
	[tilespmem:$0x4080] =	vst v63  }
0x9: {  	s6 =	simm.s32 $0x80;
	s11 =	sshrl.u32 s10, $0x1;
	_ =	swait.ge [sflag:s3], $0x80  }
0xa: {  	s9 =	sshll.u32 s9, $0x4;
	s31 =	ssub.s32 s10, s11;
	[sflag:s3] =	ssyncset.done $0x0  }
0xb: {  	s8 =	sadd.s32 s9, s8;
	s9 =	smax.u32 s31, $0x1;
	[sflag:s3] =	ssyncadd.s32 $0xFFFFFF80  }
0xc: {  	[tilespmem:s6], [sflag:$0x1] =	stream.indirect.gather [hbm4b:s5+s6], $0x80, s2, s6, $0xb8;
	[tilespmem:$0x4080] =	vst v63  }
0xd: {  	p0 =	sne.s32 s9, $0x1;
	_ =	swait.ge [sflag:s7], $0x4000  }
.Ltmp0:
0xe: {  	[sflag:s7] =	ssyncset.done $0x0;
	(pc) =	sbr.rel @!p0 .LBB2_2-.Ltmp0, $4  }
0xf: {  	s8 =	sadd.s32 $0x14800, s8;
	[sflag:s7] =	ssyncadd.s32 $0xFFFFC000  }
0x10: {  	[hbm4b:s8+s2] =	stream.linear.scatter [tilespmem:s6], [sflag:$0x2], $0x4000, $0x38;
	[tilespmem:$0x4080] =	vst v63  }
0x11: {  	_ =	swait.ge [sflag:s3], $0x4000  }
0x12: {  	s9 =	sadd.s32 $0xFFFFFFFF, s9;
	[sflag:s3] =	ssyncset.done $0x0  }
.LBB2_1:
0x13: {  	p0 =	sne.s32 s9, $0x1;
	s9 =	sadd.s32 $0xFFFFFFFF, s9;
	[sflag:s3] =	ssyncadd.s32 $0xFFFFC000  }
0x14: {  	[tilespmem:s2], [sflag:$0x2] =	stream.linear.gather [hbm4b:s4+s2], $0x80, $0x38;
	[tilespmem:$0x4080] =	vst v63  }
0x15: {  	_ =	swait.ge [sflag:s3], $0x80  }
0x16: {  	[sflag:s3] =	ssyncset.done $0x0  }
0x17: {  	[sflag:s3] =	ssyncadd.s32 $0xFFFFFF80  }
0x18: {  	[tilespmem:s6], [sflag:$0x1] =	stream.indirect.gather [hbm4b:s5+s6], $0x80, s2, s6, $0xb8;
	[tilespmem:$0x4080] =	vst v63  }
0x19: {  	_ =	swait.ge [sflag:s7], $0x4000  }
.Ltmp1:
0x1a: {  	[sflag:s7] =	ssyncset.done $0x0;
	(pc) =	sbr.rel @p0 .LBB2_1-.Ltmp1, $4  }
0x1b: {  	[sflag:s7] =	ssyncadd.s32 $0xFFFFC000  }
0x1c: {  	[hbm4b:s8+s2] =	stream.linear.scatter [tilespmem:s6], [sflag:$0x2], $0x4000, $0x38;
	[tilespmem:$0x4080] =	vst v63  }
0x1d: {  	_ =	swait.ge [sflag:s3], $0x4000  }
0x1e: {  	[sflag:s3] =	ssyncset.done $0x0  }
.LBB2_2:
0x1f: {  	[sflag:s3] =	ssyncadd.s32 $0xFFFFC000  }
0x20: {  	_ =	sfence.sel $0x180000  }
0x21: {  	[bflag:$0x0] =	sbarrier.arrive $0xFFFF  }
0x22: {  	p0 =	sne.s32 s0, $0x0;
	_ =	strace $0x9000004A  }
0x23: {  	s0 =	sadd.s32 @!p0 $0x100000, s1;
	[bflag:$0x2] =	sbarrier.arrive $0xFFFF  }
0x24: {  	[sflag:s0] =	ssyncadd.tile.s32 @!p0 $0x1;
	_ =	shalt  }
.Lfunc_end2:
_tile_overlayer_lowered:
.L_overlay_start_2:
0x25: {  	(tag) =	ssettag $0x2  }
0x26: {  	s0 =	rddreg [dreg:$0x0];
	s2 =	stileid.u32  }
0x27: {  	s1 =	rddreg [dreg:$0x1];
	p0 =	sne.s32 s2, $0x0  }
0x28: {  	s3 =	rddreg [dreg:$0x2];
	[bflag:$0x3] =	sbarrier.arrive $0xFFFF;
	s2 =	simm.s32 @!p0 $0x1C02  }
0x29: {  	[timem:s3], [sflag:s2] =	dma.local @!p0 [hbm:s0], s1  }
0x2a: {  	s0 =	simm.s32 @!p0 $0x2  }
0x2b: {  	_ =	swait.ge @!p0 [sflag:s0], s1  }
0x2c: {  	s1 =	ssub.s32 @!p0 $0x0, s1;
	[sflag:s0] =	ssyncset.done @!p0 $0x0  }
0x2d: {  	[sflag:s0] =	ssyncadd.s32 @!p0 s1  }
0x2e: {  	[bflag:$0x3] =	sbarrier.arrive $0xFFFF  }
0x2f: {  	_ =	shalt  }

// kernel: kernel.7.cloned.1.call-start
scs
__scs_entry_jumppad:
0x0: {  	(pc) =	sbr.rel $0x88, $3  }
0x1: {  	(tag) =	ssettag $0x0;
	lr =	simm.s32 $0x1  }
0x2: {  	[smem:$0x3F9F] =	sst lr;
	_ =	strace $0xD0000000  }
0x3: {  	_ = 	snop  }
0x4: {  	_ = 	snop  }
0x5: {  	_ = 	snop  }
0x6: {  	_ = 	snop  }
0x7: {  	_ = 	snop  }
__scs_overlays_trampoline_lowered:
0x8: {  	[smem:$0x3FAE] =	sst s0  }
0x9: {  	[smem:$0x3FAF] =	sst s1  }
0xa: {  	[smem:$0x3FB0] =	sst s2  }
0xb: {  	[smem:$0x3FB1] =	sst s3  }
0xc: {  	[smem:$0x3FB2] =	sst s4  }
0xd: {  	[smem:$0x3FB3] =	sst s5  }
0xe: {  	[smem:$0x3FB4] =	sst s6  }
0xf: {  	[smem:$0x3FB5] =	sst s7  }
0x10: {  	[smem:$0x3FB6] =	sst s8  }
0x11: {  	[smem:$0x3FB7] =	sst s9;
	s0 =	simm.s32 @!p0 $0x0  }
0x12: {  	s1 =	sld [smem:$0x3F9D];
	s0 =	simm.s32 @p0 $0x1  }
0x13: {  	[smem:$0x3FB8] =	sst s0;
	s0 =	simm.s32 @!p1 $0x0  }
0x14: {  	s2 =	sld [smem:$0x3F9C];
	s0 =	simm.s32 @p1 $0x1  }
0x15: {  	[smem:$0x3FB9] =	sst s0;
	s0 =	simm.s32 @!p2 $0x0  }
0x16: {  	s3 =	sld [smem:$0x3FDB];
	s0 =	simm.s32 @p2 $0x1  }
0x17: {  	s4 =	simm.s32 $0x1BF5;
	[smem:$0x3FBB] =	sst s0  }
0x18: {  	s0 =	sld [smem:$0x3F9E];
	_ =	swait.ge [sflag:s4], $0x0  }
0x19: {  	s7 =	sld [smem:$0x3F9F]  }
0x1a: {  	s8 =	sadd.s32 $0xFFFFE003, lr  }
0x1b: {  	s9 =	sadd.s32 $0xFFFFFEF7, lr;
	s5 =	simm.s32 $0xFFFFFFFF;
	p2 =	slt.u32 s8, $0xFFFFF086  }
0x1c: {  	p1 =	slt.u32 s9, $0xF7A;
	s5 =	simm.s32 @!p2 $0x0  }
0x1d: {  	s5 =	simm.s32 @p1 $0x1;
	p0 =	seq.s32 s7, s2  }
0x1e: {  	s7 =	smul.u32 @!p0 $0xF7A, s2;
	p2 =	seq.s32 @!p0 s5, $0x0  }
0x1f: {  	s9 =	smul.u32 $0xF7A, s1;
	s8 =	simm.s32 @!p0 $0x1BF5;
	p2 =	por !p2, p0  }
0x20: {  	[sflag:s8] =	ssyncset.s32 @!p0 $0xFFFFF086;
	s6 =	sadd.s32 @!p0 s3, s7;
	s7 =	simm.s32 @!p0 $0x108  }
0x21: {  	s3 =	sadd.s32 s3, s9;
	s6 =	sadd.s32 @!p0 $0x88, s6;
	s7 =	simm.s32 @p2 $0x1082  }
0x22: {  	[simem:s7], [sflag:s8] =	dma.local @!p0 [hbm:s6], $0xF7A  }
0x23: {  	s9 =	sor.u32 $0xD0000000, s2;
	s6 =	simm.s32 $0x108;
	_ =	swait.ge @!p0 [sflag:s8], $0x0  }
0x24: {  	s3 =	sadd.s32 $0x88, s3;
	s6 =	simm.s32 @!p1 $0x1082;
	[sflag:s4] =	ssyncset.s32 $0xFFFFF086  }
0x25: {  	[simem:s6], [sflag:s4] =	dma.local [hbm:s3], $0xF7A  }
0x26: {  	[smem:$0x3F9F] =	sst s1;
	(tag) =	ssettag s2;
	_ =	strace s9  }
0x27: {  	s1 =	sld [smem:$0x3FAF]  }
0x28: {  	s2 =	sld [smem:$0x3FB0]  }
0x29: {  	s4 =	sld [smem:$0x3FB2]  }
0x2a: {  	p0 =	seq.s32 s5, $0x0;
	s5 =	sld [smem:$0x3FB3]  }
0x2b: {  	s6 =	sld [smem:$0x3FB4]  }
0x2c: {  	s7 =	sld [smem:$0x3FB5]  }
0x2d: {  	s3 =	simm.s32 $0x108;
	s8 =	sld [smem:$0x3FB6]  }
0x2e: {  	s3 =	simm.s32 @!p0 $0x1082;
	s9 =	sld [smem:$0x3FB7]  }
0x2f: {  	lr =	sadd.s32 s0, s3;
	s0 =	sld [smem:$0x3FAE]  }
0x30: {  	s3 =	sld [smem:$0x3FB1]  }
0x31: {  	[smem:$0x3FBA] =	sst s10  }
0x32: {  	s10 =	sld [smem:$0x3FB8];
	_ =	sdelay $0x3  }
0x33: {  	p0 =	seq.s32 s10, $0x1;
	s10 =	sld [smem:$0x3FBA];
	_ =	sdelay $0x3  }
0x34: {  	[smem:$0x3FBA] =	sst s10  }
0x35: {  	s10 =	sld [smem:$0x3FB9];
	_ =	sdelay $0x3  }
0x36: {  	p1 =	seq.s32 s10, $0x1;
	s10 =	sld [smem:$0x3FBA];
	_ =	sdelay $0x3  }
0x37: {  	[smem:$0x3FBA] =	sst s10  }
0x38: {  	s10 =	sld [smem:$0x3FBB]  }
0x39: {  	_ = 	snop;
	(pc) =	sbr.ind lr, $3  }
0x3a: {  	_ = 	snop  }
0x3b: {  	_ = 	snop  }
0x3c: {  	p2 =	seq.s32 s10, $0x1;
	s10 =	sld [smem:$0x3FBA]  }
0x3d: {  	_ =	shalt  }
0x3e: {  	_ =	shalt  }
0x3f: {  	_ =	shalt  }
0x40: {  	_ =	shalt  }
0x41: {  	_ =	shalt  }
0x42: {  	_ =	shalt  }
0x43: {  	_ =	shalt  }
0x44: {  	_ =	shalt  }
0x45: {  	_ =	shalt  }
0x46: {  	_ =	shalt  }
0x47: {  	_ =	shalt  }
0x48: {  	_ =	shalt  }
0x49: {  	_ =	shalt  }
0x4a: {  	_ =	shalt  }
0x4b: {  	_ =	shalt  }
0x4c: {  	_ =	shalt  }
0x4d: {  	_ =	shalt  }
0x4e: {  	_ =	shalt  }
0x4f: {  	_ =	shalt  }
0x50: {  	_ =	shalt  }
0x51: {  	_ =	shalt  }
0x52: {  	_ =	shalt  }
0x53: {  	_ =	shalt  }
0x54: {  	_ =	shalt  }
0x55: {  	_ =	shalt  }
0x56: {  	_ =	shalt  }
0x57: {  	_ =	shalt  }
0x58: {  	_ =	shalt  }
0x59: {  	_ =	shalt  }
0x5a: {  	_ =	shalt  }
0x5b: {  	_ =	shalt  }
0x5c: {  	_ =	shalt  }
0x5d: {  	_ =	shalt  }
0x5e: {  	_ =	shalt  }
0x5f: {  	_ =	shalt  }
0x60: {  	_ =	shalt  }
0x61: {  	_ =	shalt  }
0x62: {  	_ =	shalt  }
0x63: {  	_ =	shalt  }
0x64: {  	_ =	shalt  }
0x65: {  	_ =	shalt  }
0x66: {  	_ =	shalt  }
0x67: {  	_ =	shalt  }
0x68: {  	_ =	shalt  }
0x69: {  	_ =	shalt  }
0x6a: {  	_ =	shalt  }
0x6b: {  	_ =	shalt  }
0x6c: {  	_ =	shalt  }
0x6d: {  	_ =	shalt  }
0x6e: {  	_ =	shalt  }
0x6f: {  	_ =	shalt  }
0x70: {  	_ =	shalt  }
0x71: {  	_ =	shalt  }
0x72: {  	_ =	shalt  }
0x73: {  	_ =	shalt  }
0x74: {  	_ =	shalt  }
0x75: {  	_ =	shalt  }
0x76: {  	_ =	shalt  }
0x77: {  	_ =	shalt  }
0x78: {  	_ =	shalt  }
0x79: {  	_ =	shalt  }
0x7a: {  	_ =	shalt  }
0x7b: {  	_ =	shalt  }
0x7c: {  	_ =	shalt  }
0x7d: {  	_ =	shalt  }
0x7e: {  	_ =	shalt  }
0x7f: {  	_ =	shalt  }
0x80: {  	_ =	shalt  }
0x81: {  	_ =	shalt  }
0x82: {  	_ =	shalt  }
0x83: {  	_ =	shalt  }
0x84: {  	_ =	shalt  }
0x85: {  	_ =	shalt  }
0x86: {  	_ =	shalt  }
0x87: {  	_ =	shalt  }
.Lfunc_end0:
.L_simem_size_0:
called_computation_lowered:
.L_overlay_start_0:
0x88: {  	s2 =	sld [smem:$0x3FD9]  }
0x89: {  	s3 =	sld [smem:$0x3FFE];
	_ =	sdelay $0x1  }
0x8a: {  	s1 =	srdreg.scid  }
0x8b: {  	s0 =	sand.u32 $0x1, s1  }
0x8c: {  	s16 =	sshll.u32 s0, $0xA;
	s2 =	sadd.s32 s3, s2  }
0x8d: {  	s2 =	sadd.s32 s2, s16  }
0x8e: {  	[smem:$0x3FC6] =	sst s2  }
0x8f: {  	_ = 	snop  }
0x90: {  	(tm) =	ssettm $0x1  }
0x91: {  	s17 =	sld [smem:$0x3FFB];
	_ =	sdelay $0x3  }
0x92: {  	_ =	strace s17  }
0x93: {  	s2 =	sld [smem:$0x3FFC];
	_ =	sdelay $0x3  }
0x94: {  	_ =	strace s2  }
0x95: {  	s2 =	sld [smem:$0x3FFD];
	_ =	sdelay $0x3  }
0x96: {  	_ =	strace s2  }
0x97: {  	_ =	strace $0x8FFFFFFF  }
0x98: {  	s18 =	sld [smem:$0x3FDB];
	_ =	sdelay $0x1  }
0x99: {  	s19 =	simm.s32 $_scs_section_size  }
0x9a: {  	s4 =	simm.s32 $_size__tile_overlayer_lowered;
	s5 =	simm.s32 $_tile_overlayer_lowered  }
0x9b: {  	s22 =	simm.s32 $0x1BFF;
	s21 =	sshll.u32 s5, $0x1;
	s2 =	sadd.s32 s19, s18  }
0x9c: {  	s6 =	simm.s32 $0x0;
	s20 =	sshll.u32 s4, $0x1;
	s4 =	sadd.s32 s21, s2  }
0x9d: {  	[timem:s6], [sflag:s22] =	dma.local [hbm:s4], s20  }
0x9e: {  	_ =	swait.ge [sflag:s22], s20  }
0x9f: {  	s3 =	ssub.s32 $0x0, s20;
	[sflag:s22] =	ssyncset.done $0x0  }
0xa0: {  	[sflag:s22] =	ssyncadd.s32 s3;
	_ =	sdelay $0x1  }
0xa1: {  	s23 =	simm.s32 $0x1B8B  }
0xa2: {  	_ =	swait.ge [sflag:s23], $0x1  }
0xa3: {  	[sflag:s23] =	ssyncset.done $0x0  }
0xa4: {  	s25 =	simm.s32 $0x1B8E;
	s24 =	sld [smem:$0x3FFE];
	[sflag:s23] =	ssyncadd.s32 $0xFFFFFFFF  }
0xa5: {  	s26 =	simm.s32 $execute0_lowered;
	[smem:$0x3FD2] =	sst s25  }
0xa6: {  	s4 =	sshll.u32 s26, $0x1;
	_ =	strace $0x80000046;
	[dreg:$0x1] =	wrdreg $0xFFFFFFFF  }
0xa7: {  	s28 =	simm.s32 $_size_execute0_lowered;
	s2 =	sadd.s32 s2, s4;
	[dreg:$0x0] =	wrdreg $0x0  }
0xa8: {  	s4 =	sshll.u32 s28, $0x1;
	[dreg:$0x2] =	wrdreg s2  }
0xa9: {  	[dreg:$0x3] =	wrdreg s4  }
0xaa: {  	[dreg:$0x4] =	wrdreg $0xC0  }
0xab: {  	_ =	task [dreg:s6], $0x5FFFF  }
0xac: {  	[dreg:$0x1] =	wrdreg $0xFFFFFFFF  }
0xad: {  	[dreg:$0x0] =	wrdreg $0x60  }
0xae: {  	[dreg:$0x2] =	wrdreg s24  }
0xaf: {  	[dreg:$0x3] =	wrdreg $0x9  }
0xb0: {  	_ =	task.clear_ibuf [dreg:s6], $0x4FFFF;
	_ =	strace $0x90000046  }
0xb1: {  	s29 =	simm.s32 $0x9;
	_ =	strace $0x80000048  }
0xb2: {  	_ =	swait.ge [sflag:s29], $0x1  }
0xb3: {  	[sflag:s29] =	ssyncadd.s32 $0xFFFFFFFF  }
0xb4: {  	_ =	strace $0x90000048  }
0xb5: {  	_ =	sfence  }
0xb6: {  	s30 =	sld [smem:$0x0];
	_ =	sdelay $0x2  }
0xb7: {  	s31 =	sshll.u32 s1, $0xD;
	s1 =	sshrl.u32 s1, $0x2  }
0xb8: {  	s3 =	sand.u32 $0x4000, s31;
	s1 =	sadd.s32 s1, s30  }
0xb9: {  	s0 =	sor.u32 s3, s0;
	s1 =	sshll.u32 s1, $0x11  }
0xba: {  	s0 =	sor.u32 s1, s0  }
0xbb: {  	s0 =	sadd.s32 $0x8F2B, s0  }
0xbc: {  	[sflag:s0] =	ssyncadd.remote.s32 $0x1  }
0xbd: {  	_ =	sfence.sel $0xFFFF  }
0xbe: {  	[dreg:$0x0] =	wrdreg $0xFFFFFFFF;
	(pc) =	sbr.abs _section_cstart, $3  }
0xbf: {  	[dreg:$0x1] =	wrdreg $0xFFFFFFFF  }
0xc0: {  	_ =	task.clear_ibuf [dreg:s6], $0x2FFFF;
	_ =	strace $0x9FFFFFFF  }
0xc1: {  	(tm) =	ssettm $0x7FFFFFFF  }
tec
execute0_lowered:
.L_overlay_start_1:
0x0: {  	(tag) =	ssettag $0x1  }
0x1: {  	s1 =	srdreg.scid  }
0x2: {  	s0 =	stileid.u32;
	s6 =	sand.u32 $0x1, s1  }
0x3: {  	s8 =	rddreg [dreg:$0x0];
	s30 =	sshll.u32 s0, $0x8;
	s2 =	sshll.u32 s6, $0x7  }
0x4: {  	s7 =	simm.s32 $0x1;
	s1 =	rddreg [dreg:$0x1];
	s9 =	sor.u32 s2, s30  }
0x5: {  	s5 =	sadd.s32 $0x2600, s8;
	s2 =	simm.s32 $0x0;
	s3 =	sshrl.u32 s9, $0x3  }
0x6: {  	s10 =	ssub.s32 $0x2, s6;
	[smem:$0x7FF] =	sst s2;
	s3 =	sadd.s32 s3, s8  }
0x7: {  	_ =	strace $0x80000047;
	s4 =	sadd.s32 $0x2400, s3;
	s3 =	simm.s32 $0x2  }
0x8: {  	[tilespmem:s2], [sflag:$0x2] =	stream.linear.gather [hbm4b:s4+s2], $0x80, $0x38;
	[tilespmem:$0x4080] =	vst v63  }
0x9: {  	s6 =	simm.s32 $0x80;
	s11 =	sshrl.u32 s10, $0x1;
	_ =	swait.ge [sflag:s3], $0x80  }
0xa: {  	s9 =	sshll.u32 s9, $0x4;
	s31 =	ssub.s32 s10, s11;
	[sflag:s3] =	ssyncset.done $0x0  }
0xb: {  	s8 =	sadd.s32 s9, s8;
	s9 =	smax.u32 s31, $0x1;
	[sflag:s3] =	ssyncadd.s32 $0xFFFFFF80  }
0xc: {  	[tilespmem:s6], [sflag:$0x1] =	stream.indirect.gather [hbm4b:s5+s6], $0x80, s2, s6, $0xb8;
	[tilespmem:$0x4080] =	vst v63  }
0xd: {  	p0 =	sne.s32 s9, $0x1;
	_ =	swait.ge [sflag:s7], $0x4000  }
.Ltmp0:
0xe: {  	[sflag:s7] =	ssyncset.done $0x0;
	(pc) =	sbr.rel @!p0 .LBB2_2-.Ltmp0, $4  }
0xf: {  	s8 =	sadd.s32 $0x4600, s8;
	[sflag:s7] =	ssyncadd.s32 $0xFFFFC000  }
0x10: {  	[hbm4b:s8+s2] =	stream.linear.scatter [tilespmem:s6], [sflag:$0x2], $0x4000, $0x38;
	[tilespmem:$0x4080] =	vst v63  }
0x11: {  	_ =	swait.ge [sflag:s3], $0x4000  }
0x12: {  	s9 =	sadd.s32 $0xFFFFFFFF, s9;
	[sflag:s3] =	ssyncset.done $0x0  }
.LBB2_1:
0x13: {  	p0 =	sne.s32 s9, $0x1;
	s9 =	sadd.s32 $0xFFFFFFFF, s9;
	[sflag:s3] =	ssyncadd.s32 $0xFFFFC000  }
0x14: {  	[tilespmem:s2], [sflag:$0x2] =	stream.linear.gather [hbm4b:s4+s2], $0x80, $0x38;
	[tilespmem:$0x4080] =	vst v63  }
0x15: {  	_ =	swait.ge [sflag:s3], $0x80  }
0x16: {  	[sflag:s3] =	ssyncset.done $0x0  }
0x17: {  	[sflag:s3] =	ssyncadd.s32 $0xFFFFFF80  }
0x18: {  	[tilespmem:s6], [sflag:$0x1] =	stream.indirect.gather [hbm4b:s5+s6], $0x80, s2, s6, $0xb8;
	[tilespmem:$0x4080] =	vst v63  }
0x19: {  	_ =	swait.ge [sflag:s7], $0x4000  }
.Ltmp1:
0x1a: {  	[sflag:s7] =	ssyncset.done $0x0;
	(pc) =	sbr.rel @p0 .LBB2_1-.Ltmp1, $4  }
0x1b: {  	[sflag:s7] =	ssyncadd.s32 $0xFFFFC000  }
0x1c: {  	[hbm4b:s8+s2] =	stream.linear.scatter [tilespmem:s6], [sflag:$0x2], $0x4000, $0x38;
	[tilespmem:$0x4080] =	vst v63  }
0x1d: {  	_ =	swait.ge [sflag:s3], $0x4000  }
0x1e: {  	[sflag:s3] =	ssyncset.done $0x0  }
.LBB2_2:
0x1f: {  	[sflag:s3] =	ssyncadd.s32 $0xFFFFC000  }
0x20: {  	_ =	sfence.sel $0x180000  }
0x21: {  	[bflag:$0x0] =	sbarrier.arrive $0xFFFF  }
0x22: {  	p0 =	sne.s32 s0, $0x0;
	_ =	strace $0x90000047  }
0x23: {  	s0 =	sadd.s32 @!p0 $0x100000, s1;
	[bflag:$0x2] =	sbarrier.arrive $0xFFFF  }
0x24: {  	[sflag:s0] =	ssyncadd.tile.s32 @!p0 $0x1;
	_ =	shalt  }
.Lfunc_end2:
_tile_overlayer_lowered:
.L_overlay_start_2:
0x25: {  	(tag) =	ssettag $0x2  }
0x26: {  	s0 =	rddreg [dreg:$0x0];
	s2 =	stileid.u32  }
0x27: {  	s1 =	rddreg [dreg:$0x1];
	p0 =	sne.s32 s2, $0x0  }
0x28: {  	s3 =	rddreg [dreg:$0x2];
	[bflag:$0x3] =	sbarrier.arrive $0xFFFF;
	s2 =	simm.s32 @!p0 $0x1C02  }
0x29: {  	[timem:s3], [sflag:s2] =	dma.local @!p0 [hbm:s0], s1  }
0x2a: {  	s0 =	simm.s32 @!p0 $0x2  }
0x2b: {  	_ =	swait.ge @!p0 [sflag:s0], s1  }
0x2c: {  	s1 =	ssub.s32 @!p0 $0x0, s1;
	[sflag:s0] =	ssyncset.done @!p0 $0x0  }
0x2d: {  	[sflag:s0] =	ssyncadd.s32 @!p0 s1  }
0x2e: {  	[bflag:$0x3] =	sbarrier.arrive $0xFFFF  }
0x2f: {  	_ =	shalt  }

</sc_bundles>
